<compile_context>
chip_gen: v7x
topology: tpu7x:2x2x1
jax: 0.10.2.dev20260603
libtpu: 0.0.44.dev20260713+nightly
codegen_flags: <defaults>
</compile_context>

<pallas_src>
import jax
import jax.numpy as jnp
from jax import lax
from jax.experimental import pallas as pl
from jax.experimental.pallas import tpu as pltpu
from jax.experimental.pallas import tpu_sc as plsc

B = 4096
E = 64
N_CAT = 26
N_NUM = 13
N_GROUPS = 4
N_ATTRS = 39
D = 100

NC = 2
NS = 16
NW = NC * NS

CHUNK = 128
NBUF = 4

_SC_PARAMS = pltpu.CompilerParams(use_tc_tiling_on_sc=False)


def _emit_chunk_pipeline(table, idx_v, out_hbm, wbase, n_chunks,
                         rows_b, gsem, wsem,
                         bias_src=None, bias_out=None, bias_b=None, bsem=None):

    def group_ops(j0):
        gds, bds, wds = [], [], []
        for b in range(NBUF):
            sl = idx_v.at[pl.ds((j0 + b) * CHUNK, CHUNK)]
            gds.append(pltpu.async_copy(table.at[sl], rows_b.at[b], gsem.at[b]))
            if bias_src is not None:
                bds.append(pltpu.async_copy(bias_src.at[sl], bias_b.at[b],
                                            bsem.at[b]))
        for b in range(NBUF):
            gds[b].wait()
            base = wbase + (j0 + b) * CHUNK
            wds.append(pltpu.async_copy(rows_b.at[b],
                                        out_hbm.at[pl.ds(base, CHUNK)],
                                        wsem.at[b]))
            if bias_src is not None:
                bds[b].wait()
                wds.append(pltpu.async_copy(bias_b.at[b],
                                            bias_out.at[pl.ds(base, CHUNK)],
                                            bsem.at[b]))
        for w in wds:
            w.wait()

    full = n_chunks // NBUF

    def group(jo, _):
        group_ops(jo * NBUF)
        return _

    lax.fori_loop(0, full, group, None)

    for t in range(n_chunks % NBUF):
        j = full * NBUF + t
        sl = idx_v.at[pl.ds(j * CHUNK, CHUNK)]
        pltpu.async_copy(table.at[sl], rows_b.at[0], gsem.at[0]).wait()
        base = wbase + j * CHUNK
        pltpu.async_copy(rows_b.at[0], out_hbm.at[pl.ds(base, CHUNK)],
                         wsem.at[0]).wait()
        if bias_src is not None:
            pltpu.async_copy(bias_src.at[sl], bias_b.at[0], bsem.at[0]).wait()
            pltpu.async_copy(bias_b.at[0], bias_out.at[pl.ds(base, CHUNK)],
                             bsem.at[0]).wait()


def _sc_gather_body(in_W, out_W, out_Bf, cat_idx, dom_idx,
                    cat_rows, dom_rows, dom_bias,
                    idx_cat_v, idx_dom_v, rows_b, bias_b, gsem, wsem, bsem):
    wid = lax.axis_index("s") * NC + lax.axis_index("c")

    n_cat_w = (B * N_CAT) // NW
    n_dom_w = (B * D) // NW

    pltpu.sync_copy(cat_idx.at[pl.ds(wid * n_cat_w, n_cat_w)], idx_cat_v)
    pltpu.sync_copy(dom_idx.at[pl.ds(wid * n_dom_w, n_dom_w)], idx_dom_v)

    _emit_chunk_pipeline(in_W, idx_cat_v, cat_rows, wid * n_cat_w,
                         n_cat_w // CHUNK, rows_b, gsem, wsem)
    _emit_chunk_pipeline(out_W, idx_dom_v, dom_rows, wid * n_dom_w,
                         n_dom_w // CHUNK, rows_b, gsem, wsem,
                         bias_src=out_Bf, bias_out=dom_bias,
                         bias_b=bias_b, bsem=bsem)


@jax.jit
def _sc_gather(in_W, out_W, out_B, cat_idx_flat, dom_idx_flat):
    mesh = plsc.VectorSubcoreMesh(core_axis_name="c", subcore_axis_name="s")
    return pl.kernel(
        _sc_gather_body,
        out_type=(
            jax.ShapeDtypeStruct((B * N_CAT, E), jnp.float32),
            jax.ShapeDtypeStruct((B * D, E), jnp.float32),
            jax.ShapeDtypeStruct((B * D,), jnp.float32),
        ),
        mesh=mesh,
        compiler_params=_SC_PARAMS,
        scratch_types=[
            pltpu.VMEM(((B * N_CAT) // NW,), jnp.int32),
            pltpu.VMEM(((B * D) // NW,), jnp.int32),
            pltpu.VMEM((NBUF, CHUNK, E), jnp.float32),
            pltpu.VMEM((NBUF, CHUNK), jnp.float32),
            pltpu.SemaphoreType.DMA((NBUF,)),
            pltpu.SemaphoreType.DMA((NBUF,)),
            pltpu.SemaphoreType.DMA((NBUF,)),
        ],
    )(in_W, out_W, out_B.reshape(-1), cat_idx_flat, dom_idx_flat)


BLK = 128


def _tc_body(cat_ref, numvals_ref, nummasks_ref, bases_ref, zero_ref, w1_ref,
             bias1_ref, attrW_ref, gm_ref, attr_idx_ref, dom_ref, dom_bias_ref,
             dom_masks_ref, out_ref):
    numvals = numvals_ref[...]
    nummasks = nummasks_ref[...]
    gm = gm_ref[...]
    bases = bases_ref[...]

    nvs = []
    for g in range(N_GROUPS):
        mv = numvals * gm[g][None, :]
        h = jnp.dot(mv, bases, preferred_element_type=jnp.float32)
        h = jnp.maximum(h + zero_ref[g][None, :], 0.0)
        h = jnp.dot(h, w1_ref[g], preferred_element_type=jnp.float32)
        h = h + bias1_ref[g][None, :]
        full = jnp.sum(gm[g])
        got = jnp.sum(nummasks * gm[g][None, :], axis=1)
        h = h * (full == got).astype(jnp.float32)[:, None]
        nvs.append(h[:, None, :])
    nv = jnp.concatenate(nvs, axis=1)

    iv = jnp.concatenate([cat_ref[...], nv], axis=1)
    norm = jnp.maximum(jnp.sqrt(jnp.sum(iv * iv, axis=2)), 1e-12)

    aidx = attr_idx_ref[...]
    onehot = (lax.broadcasted_iota(jnp.int32, (BLK, N_ATTRS), 1)
              == aidx).astype(jnp.float32)
    alog = jnp.dot(onehot, attrW_ref[...],
                   preferred_element_type=jnp.float32)
    m = jnp.max(alog, axis=1, keepdims=True)
    e = jnp.exp(alog - m)
    w = e / jnp.sum(e, axis=1, keepdims=True)
    w = w / norm

    combined = jnp.sum(w[:, :, None] * iv, axis=1)

    dot = jnp.sum(dom_ref[...] * combined[:, None, :], axis=2)
    out_ref[...] = dot + dom_bias_ref[...] + dom_masks_ref[...]


@jax.jit
def _tc_dense(cat_rows, init_numvals, init_nummasks, in_num_bases,
              in_num_zero_vecs, in_num_w1, in_num_bias1, attr_W,
              num_attr_groups_mask, attr_idxs, dom_rows, dom_bias,
              domain_masks):
    grid = (B // BLK,)

    def bb(*shape):
        return pl.BlockSpec(shape, lambda i: (i,) + (0,) * (len(shape) - 1))

    def full(*shape):
        return pl.BlockSpec(shape, lambda i: (0,) * len(shape))

    return pl.pallas_call(
        _tc_body,
        grid=grid,
        in_specs=[
            bb(BLK, N_CAT, E),
            bb(BLK, N_NUM),
            bb(BLK, N_NUM),
            full(N_NUM, E),
            full(N_GROUPS, E),
            full(N_GROUPS, E, E),
            full(N_GROUPS, E),
            full(N_ATTRS, N_CAT + N_GROUPS),
            full(N_GROUPS, N_NUM),
            bb(BLK, 1),
            bb(BLK, D, E),
            bb(BLK, D),
            bb(BLK, D),
        ],
        out_specs=bb(BLK, D),
        out_shape=jax.ShapeDtypeStruct((B, D), jnp.float32),
    )(cat_rows, init_numvals, init_nummasks, in_num_bases, in_num_zero_vecs,
      in_num_w1, in_num_bias1, attr_W, num_attr_groups_mask, attr_idxs,
      dom_rows, dom_bias, domain_masks)


def kernel(in_W, out_W, out_B, in_num_bases, in_num_zero_vecs, in_num_w1,
           in_num_bias1, attr_W, num_attr_groups_mask, init_cat_idxs,
           init_numvals, init_nummasks, attr_idxs, domain_idxs, domain_masks):
    cat_rows, dom_rows, dom_bias = _sc_gather(
        in_W, out_W, out_B,
        init_cat_idxs.reshape(-1), domain_idxs.reshape(-1))
    return _tc_dense(
        cat_rows.reshape(B, N_CAT, E), init_numvals, init_nummasks,
        in_num_bases, in_num_zero_vecs, in_num_w1, in_num_bias1, attr_W,
        num_attr_groups_mask, attr_idxs, dom_rows.reshape(B, D, E),
        dom_bias.reshape(B, D), domain_masks)

# --- scband reference (transcript-rebuilt; emitter-appended) ---
"""Pipeline reference for scband-embedding-model-81673098100768 (READ-ONLY COPY).

The authoritative reference and input builder live on the scoring server;
editing this copy changes nothing except your own understanding.
"""

import jax, jax.numpy as jnp
import numpy as np

B = 4096
E = 64
N_INIT_VALS = 100000
N_TRAIN_VALS = 100000
N_INIT_CAT = 26
N_INIT_NUM = 13
N_GROUPS = 4
N_TRAIN_ATTRS = 39
MAX_CAT_DOMAIN = 100


def setup_inputs(seed: int = 0) -> dict:
    key = jax.random.key(seed)
    ks = jax.random.split(key, 16)
    init_cat_idxs = jax.random.randint(ks[0], (B, N_INIT_CAT), 0, N_INIT_VALS)
    init_numvals = jax.random.normal(ks[1], (B, N_INIT_NUM), dtype=jnp.float32)
    init_nummasks = jnp.ones((B, N_INIT_NUM), dtype=jnp.float32)
    attr_idxs = jax.random.randint(ks[2], (B, 1), 0, N_TRAIN_ATTRS)
    domain_idxs = jax.random.randint(ks[3], (B, MAX_CAT_DOMAIN), 0, N_TRAIN_VALS)
    domain_masks = jnp.zeros((B, MAX_CAT_DOMAIN), dtype=jnp.float32)
    in_W = jax.random.normal(ks[4], (N_INIT_VALS, E), dtype=jnp.float32) * 0.05
    out_W = jax.random.normal(ks[5], (N_TRAIN_VALS, E), dtype=jnp.float32) * 0.05
    out_B = jax.random.normal(ks[6], (N_TRAIN_VALS, 1), dtype=jnp.float32) * 0.05
    in_num_bases = jax.random.normal(ks[7], (N_INIT_NUM, E), dtype=jnp.float32) * 0.05
    in_num_zero_vecs = jax.random.normal(ks[8], (N_GROUPS, E), dtype=jnp.float32) * 0.05
    in_num_w1 = jax.random.normal(ks[9], (N_GROUPS, E, E), dtype=jnp.float32) * 0.05
    in_num_bias1 = jax.random.normal(ks[10], (N_GROUPS, E), dtype=jnp.float32) * 0.05
    attr_W = jax.random.normal(ks[11], (N_TRAIN_ATTRS, N_INIT_CAT + N_GROUPS), dtype=jnp.float32) * 0.05
    gm = np.zeros((N_GROUPS, N_INIT_NUM), dtype=np.float32)
    for i in range(N_INIT_NUM):
        gm[i % N_GROUPS, i] = 1.0
    num_attr_groups_mask = jnp.array(gm)
    return {
        'in_W': in_W, 'out_W': out_W, 'out_B': out_B,
        'in_num_bases': in_num_bases, 'in_num_zero_vecs': in_num_zero_vecs,
        'in_num_w1': in_num_w1, 'in_num_bias1': in_num_bias1, 'attr_W': attr_W,
        'num_attr_groups_mask': num_attr_groups_mask,
        'init_cat_idxs': init_cat_idxs, 'init_numvals': init_numvals,
        'init_nummasks': init_nummasks, 'attr_idxs': attr_idxs,
        'domain_idxs': domain_idxs, 'domain_masks': domain_masks,
    }


def reference(in_W, out_W, out_B, in_num_bases, in_num_zero_vecs, in_num_w1,
              in_num_bias1, attr_W, num_attr_groups_mask, init_cat_idxs,
              init_numvals, init_nummasks, attr_idxs, domain_idxs, domain_masks):
    b = init_cat_idxs.shape[0]
    e = in_W.shape[1]
    # categorical init vectors: embedding gather
    init_cat_vecs = jnp.take(in_W, init_cat_idxs.reshape(-1), axis=0).reshape(b, -1, e)
    # numerical init vectors
    v = init_numvals[..., None]                      # (B, n_num, 1)
    num_vecs = in_num_bases[None, :, :] * v          # (B, n_num, E)
    gm = num_attr_groups_mask                        # (G, n_num)
    nv = (gm[None, :, :, None] * num_vecs[:, None, :, :]).sum(axis=2)  # (B, G, E)
    nv = nv + in_num_zero_vecs[None, :, :]
    nv = jax.nn.relu(nv)
    nv = jnp.einsum('bge,gef->bgf', nv, in_num_w1) + in_num_bias1[None, :, :]
    group_nummasks = (gm.sum(axis=-1, keepdims=True)[None, :, :] ==
                      (gm[None, :, :] * init_nummasks[:, None, :]).sum(axis=-1, keepdims=True)
                      ).astype(jnp.float32)          # (B, G, 1)
    nv = nv * group_nummasks
    init_vecs = jnp.concatenate([init_cat_vecs, nv], axis=1)  # (B, n_cat+G, E)
    norm = jnp.maximum(jnp.linalg.norm(init_vecs, axis=2, keepdims=True), 1e-12)
    init_vecs = init_vecs / norm
    attr_logits = jnp.take(attr_W, attr_idxs.reshape(-1), axis=0)[:, None, :]  # (B,1,n_cat+G)
    attr_weights = jax.nn.softmax(attr_logits, axis=2)
    combined_init = jnp.matmul(attr_weights, init_vecs)        # (B, 1, E)
    combined_init = combined_init.reshape(b, e, 1)
    # categorical forward over candidate domain
    domain_vecs = jnp.take(out_W, domain_idxs.reshape(-1), axis=0).reshape(b, -1, e)
    logits = jnp.matmul(domain_vecs, combined_init)            # (B, D, 1)
    domain_biases = jnp.take(out_B, domain_idxs.reshape(-1), axis=0).reshape(b, -1, 1)
    logits = logits + domain_biases
    logits = logits.squeeze(-1) + domain_masks                 # (B, D)
    return logits


if False:  # reference __main__ guard neutralized (emitter)
    out = reference(**setup_inputs())
    print(out.shape, out.dtype)

if __name__ == "__main__":
    import jax
    _d = setup_inputs()
    print(jax.jit(kernel)(*tuple(_d.values())))

</pallas_src>

<mosaic_0001>
#map = affine_map<(d0, d1) -> (0, 0)>
#map1 = affine_map<(d0, d1) -> (0)>
module attributes {stable_mosaic.version = 14 : i64} {
  func.func @_sc_gather_body(%arg0: i32, %arg1: i32, %arg2: memref<100000x64xf32, #tpu.memory_space<hbm>>, %arg3: memref<100000x64xf32, #tpu.memory_space<hbm>>, %arg4: memref<100000xf32, #tpu.memory_space<hbm>>, %arg5: memref<106496xi32, #tpu.memory_space<hbm>>, %arg6: memref<409600xi32, #tpu.memory_space<hbm>>, %arg7: memref<106496x64xf32, #tpu.memory_space<hbm>>, %arg8: memref<409600x64xf32, #tpu.memory_space<hbm>>, %arg9: memref<409600xf32, #tpu.memory_space<hbm>>, %arg10: memref<3328xi32, #tpu.memory_space<vmem>>, %arg11: memref<12800xi32, #tpu.memory_space<vmem>>, %arg12: memref<4x128x64xf32, #tpu.memory_space<vmem>>, %arg13: memref<4x128xf32, #tpu.memory_space<vmem>>, %arg14: memref<4x!tpu.dma_semaphore, #tpu.memory_space<semaphore_mem>>, %arg15: memref<4x!tpu.dma_semaphore, #tpu.memory_space<semaphore_mem>>, %arg16: memref<4x!tpu.dma_semaphore, #tpu.memory_space<semaphore_mem>>) attributes {dimension_semantics = [#tpu.dimension_semantics<core_parallel>, #tpu.dimension_semantics<subcore_parallel>], iteration_bounds = array<i64: 2, 16>, scalar_prefetch = 0 : i64, scratch_operands = 7 : i64, tpu.core_type = #tpu.core_type<sc_vector_subcore>, window_params = [{transform_indices = #map}, {transform_indices = #map}, {transform_indices = #map1}, {transform_indices = #map1}, {transform_indices = #map1}, {transform_indices = #map}, {transform_indices = #map}, {transform_indices = #map1}]} {
    %mul3A = arith.constant 2 : i32
    %mul3A_0 = arith.muli %arg1, %mul3A : i32
    %add3A = arith.addi %mul3A_0, %arg0 : i32
    %mul3A_1 = arith.constant 3328 : i32
    %mul3A_2 = arith.muli %add3A, %mul3A_1 : i32
    "tpu.region"() ({
      %run_scoped3A = tpu.sem_alloc : memref<!tpu.dma_semaphore, #tpu.memory_space<semaphore_mem>>
      %dma_start3A_136 = tpu.memref_slice %arg5[%mul3A_2] : memref<106496xi32, #tpu.memory_space<hbm>> -> memref<3328xi32, #tpu.memory_space<hbm>>
      %dma_start3A_137 = tpu.memref_slice %arg5[%mul3A_2] : memref<106496xi32, #tpu.memory_space<hbm>> -> memref<3328xi32, #tpu.memory_space<hbm>>
      tpu.enqueue_dma source(%dma_start3A_137 : memref<3328xi32, #tpu.memory_space<hbm>>) target(%arg10 : memref<3328xi32, #tpu.memory_space<vmem>>) target_semaphore(%run_scoped3A : memref<!tpu.dma_semaphore, #tpu.memory_space<semaphore_mem>>)
      %dma_wait3A_138 = tpu.memref_slice %arg5[%mul3A_2] : memref<106496xi32, #tpu.memory_space<hbm>> -> memref<3328xi32, #tpu.memory_space<hbm>>
      %dma_wait3A_139 = tpu.memref_slice %arg5[%mul3A_2] : memref<106496xi32, #tpu.memory_space<hbm>> -> memref<3328xi32, #tpu.memory_space<hbm>>
      tpu.wait_dma2 semaphore(%run_scoped3A : memref<!tpu.dma_semaphore, #tpu.memory_space<semaphore_mem>>) src(%dma_wait3A_139 : memref<3328xi32, #tpu.memory_space<hbm>>) dst(%arg10 : memref<3328xi32, #tpu.memory_space<vmem>>)
      tpu.yield
    }) : () -> ()
    %mul3A_3 = arith.constant 12800 : i32
    %mul3A_4 = arith.muli %add3A, %mul3A_3 : i32
    "tpu.region"() ({
      %run_scoped3A = tpu.sem_alloc : memref<!tpu.dma_semaphore, #tpu.memory_space<semaphore_mem>>
      %dma_start3A_136 = tpu.memref_slice %arg6[%mul3A_4] : memref<409600xi32, #tpu.memory_space<hbm>> -> memref<12800xi32, #tpu.memory_space<hbm>>
      %dma_start3A_137 = tpu.memref_slice %arg6[%mul3A_4] : memref<409600xi32, #tpu.memory_space<hbm>> -> memref<12800xi32, #tpu.memory_space<hbm>>
      tpu.enqueue_dma source(%dma_start3A_137 : memref<12800xi32, #tpu.memory_space<hbm>>) target(%arg11 : memref<12800xi32, #tpu.memory_space<vmem>>) target_semaphore(%run_scoped3A : memref<!tpu.dma_semaphore, #tpu.memory_space<semaphore_mem>>)
      %dma_wait3A_138 = tpu.memref_slice %arg6[%mul3A_4] : memref<409600xi32, #tpu.memory_space<hbm>> -> memref<12800xi32, #tpu.memory_space<hbm>>
      %dma_wait3A_139 = tpu.memref_slice %arg6[%mul3A_4] : memref<409600xi32, #tpu.memory_space<hbm>> -> memref<12800xi32, #tpu.memory_space<hbm>>
      tpu.wait_dma2 semaphore(%run_scoped3A : memref<!tpu.dma_semaphore, #tpu.memory_space<semaphore_mem>>) src(%dma_wait3A_139 : memref<12800xi32, #tpu.memory_space<hbm>>) dst(%arg11 : memref<12800xi32, #tpu.memory_space<vmem>>)
      tpu.yield
    }) : () -> ()
    %mul3A_5 = arith.constant 3328 : i32
    %mul3A_6 = arith.muli %add3A, %mul3A_5 : i32
    %scan3A = arith.constant 0 : i32
    %scan3A_7 = arith.constant 6 : i32
    %scan3A_8 = arith.addi %scan3A, %scan3A_7 : i32
    %scan3A_9 = arith.constant 1 : i32
    scf.for %scan3A_136 = %scan3A to %scan3A_8 step %scan3A_9  : i32 {
      %mul3A_137 = arith.constant 4 : i32
      %mul3A_138 = arith.muli %scan3A_136, %mul3A_137 : i32
      %add3A_139 = arith.constant 0 : i32
      %add3A_140 = arith.addi %mul3A_138, %add3A_139 : i32
      %mul3A_141 = arith.constant 128 : i32
      %mul3A_142 = arith.muli %add3A_140, %mul3A_141 : i32
      %dma_start3A_143 = arith.constant 0 : i32
      %dma_start3A_144 = arith.constant 0 : i32
      %dma_start3A_145 = arith.constant 0 : i32
      %dma_start3A_146 = arith.constant 0 : i32
      %dma_start3A_147 = tpu.memref_slice %arg12[%dma_start3A_143, %dma_start3A_145, %dma_start3A_146] : memref<4x128x64xf32, #tpu.memory_space<vmem>> -> memref<1x128x64xf32, #tpu.memory_space<vmem>>
      %dma_start3A_148 = tpu.memref_squeeze %dma_start3A_147 : memref<1x128x64xf32, #tpu.memory_space<vmem>> -> memref<128x64xf32, #tpu.memory_space<vmem>>
      %dma_start3A_149 = tpu.memref_slice %arg10[%mul3A_142] : memref<3328xi32, #tpu.memory_space<vmem>> -> memref<128xi32, #tpu.memory_space<vmem>>
      %dma_start3A_150 = arith.constant 0 : i32
      %dma_start3A_151 = arith.constant 0 : i32
      %dma_start3A_152 = tpu.memref_slice %arg2[%dma_start3A_150, %dma_start3A_151] : memref<100000x64xf32, #tpu.memory_space<hbm>> -> memref<100000x64xf32, #tpu.memory_space<hbm>>
      %dma_start3A_153 = tpu.memref_slice %arg14[%dma_start3A_144] : memref<4x!tpu.dma_semaphore, #tpu.memory_space<semaphore_mem>> -> memref<1x!tpu.dma_semaphore, #tpu.memory_space<semaphore_mem>>
      %dma_start3A_154 = tpu.memref_squeeze %dma_start3A_153 : memref<1x!tpu.dma_semaphore, #tpu.memory_space<semaphore_mem>> -> memref<!tpu.dma_semaphore, #tpu.memory_space<semaphore_mem>>
      tpu.enqueue_indirect_dma source(%dma_start3A_152 : memref<100000x64xf32, #tpu.memory_space<hbm>>) target(%dma_start3A_148 : memref<128x64xf32, #tpu.memory_space<vmem>>) offsets(%dma_start3A_149 : memref<128xi32, #tpu.memory_space<vmem>>) semaphore(%dma_start3A_154 : memref<!tpu.dma_semaphore, #tpu.memory_space<semaphore_mem>>)
      %add3A_155 = arith.constant 1 : i32
      %add3A_156 = arith.addi %mul3A_138, %add3A_155 : i32
      %mul3A_157 = arith.constant 128 : i32
      %mul3A_158 = arith.muli %add3A_156, %mul3A_157 : i32
      %dma_start3A_159 = arith.constant 1 : i32
      %dma_start3A_160 = arith.constant 1 : i32
      %dma_start3A_161 = arith.constant 0 : i32
      %dma_start3A_162 = arith.constant 0 : i32
      %dma_start3A_163 = tpu.memref_slice %arg12[%dma_start3A_159, %dma_start3A_161, %dma_start3A_162] : memref<4x128x64xf32, #tpu.memory_space<vmem>> -> memref<1x128x64xf32, #tpu.memory_space<vmem>>
      %dma_start3A_164 = tpu.memref_squeeze %dma_start3A_163 : memref<1x128x64xf32, #tpu.memory_space<vmem>> -> memref<128x64xf32, #tpu.memory_space<vmem>>
      %dma_start3A_165 = tpu.memref_slice %arg10[%mul3A_158] : memref<3328xi32, #tpu.memory_space<vmem>> -> memref<128xi32, #tpu.memory_space<vmem>>
      %dma_start3A_166 = arith.constant 0 : i32
      %dma_start3A_167 = arith.constant 0 : i32
      %dma_start3A_168 = tpu.memref_slice %arg2[%dma_start3A_166, %dma_start3A_167] : memref<100000x64xf32, #tpu.memory_space<hbm>> -> memref<100000x64xf32, #tpu.memory_space<hbm>>
      %dma_start3A_169 = tpu.memref_slice %arg14[%dma_start3A_160] : memref<4x!tpu.dma_semaphore, #tpu.memory_space<semaphore_mem>> -> memref<1x!tpu.dma_semaphore, #tpu.memory_space<semaphore_mem>>
      %dma_start3A_170 = tpu.memref_squeeze %dma_start3A_169 : memref<1x!tpu.dma_semaphore, #tpu.memory_space<semaphore_mem>> -> memref<!tpu.dma_semaphore, #tpu.memory_space<semaphore_mem>>
      tpu.enqueue_indirect_dma source(%dma_start3A_168 : memref<100000x64xf32, #tpu.memory_space<hbm>>) target(%dma_start3A_164 : memref<128x64xf32, #tpu.memory_space<vmem>>) offsets(%dma_start3A_165 : memref<128xi32, #tpu.memory_space<vmem>>) semaphore(%dma_start3A_170 : memref<!tpu.dma_semaphore, #tpu.memory_space<semaphore_mem>>)
      %add3A_171 = arith.constant 2 : i32
      %add3A_172 = arith.addi %mul3A_138, %add3A_171 : i32
      %mul3A_173 = arith.constant 128 : i32
      %mul3A_174 = arith.muli %add3A_172, %mul3A_173 : i32
      %dma_start3A_175 = arith.constant 2 : i32
      %dma_start3A_176 = arith.constant 2 : i32
      %dma_start3A_177 = arith.constant 0 : i32
      %dma_start3A_178 = arith.constant 0 : i32
      %dma_start3A_179 = tpu.memref_slice %arg12[%dma_start3A_175, %dma_start3A_177, %dma_start3A_178] : memref<4x128x64xf32, #tpu.memory_space<vmem>> -> memref<1x128x64xf32, #tpu.memory_space<vmem>>
      %dma_start3A_180 = tpu.memref_squeeze %dma_start3A_179 : memref<1x128x64xf32, #tpu.memory_space<vmem>> -> memref<128x64xf32, #tpu.memory_space<vmem>>
      %dma_start3A_181 = tpu.memref_slice %arg10[%mul3A_174] : memref<3328xi32, #tpu.memory_space<vmem>> -> memref<128xi32, #tpu.memory_space<vmem>>
      %dma_start3A_182 = arith.constant 0 : i32
      %dma_start3A_183 = arith.constant 0 : i32
      %dma_start3A_184 = tpu.memref_slice %arg2[%dma_start3A_182, %dma_start3A_183] : memref<100000x64xf32, #tpu.memory_space<hbm>> -> memref<100000x64xf32, #tpu.memory_space<hbm>>
      %dma_start3A_185 = tpu.memref_slice %arg14[%dma_start3A_176] : memref<4x!tpu.dma_semaphore, #tpu.memory_space<semaphore_mem>> -> memref<1x!tpu.dma_semaphore, #tpu.memory_space<semaphore_mem>>
      %dma_start3A_186 = tpu.memref_squeeze %dma_start3A_185 : memref<1x!tpu.dma_semaphore, #tpu.memory_space<semaphore_mem>> -> memref<!tpu.dma_semaphore, #tpu.memory_space<semaphore_mem>>
      tpu.enqueue_indirect_dma source(%dma_start3A_184 : memref<100000x64xf32, #tpu.memory_space<hbm>>) target(%dma_start3A_180 : memref<128x64xf32, #tpu.memory_space<vmem>>) offsets(%dma_start3A_181 : memref<128xi32, #tpu.memory_space<vmem>>) semaphore(%dma_start3A_186 : memref<!tpu.dma_semaphore, #tpu.memory_space<semaphore_mem>>)
      %add3A_187 = arith.constant 3 : i32
      %add3A_188 = arith.addi %mul3A_138, %add3A_187 : i32
      %mul3A_189 = arith.constant 128 : i32
      %mul3A_190 = arith.muli %add3A_188, %mul3A_189 : i32
      %dma_start3A_191 = arith.constant 3 : i32
      %dma_start3A_192 = arith.constant 3 : i32
      %dma_start3A_193 = arith.constant 0 : i32
      %dma_start3A_194 = arith.constant 0 : i32
      %dma_start3A_195 = tpu.memref_slice %arg12[%dma_start3A_191, %dma_start3A_193, %dma_start3A_194] : memref<4x128x64xf32, #tpu.memory_space<vmem>> -> memref<1x128x64xf32, #tpu.memory_space<vmem>>
      %dma_start3A_196 = tpu.memref_squeeze %dma_start3A_195 : memref<1x128x64xf32, #tpu.memory_space<vmem>> -> memref<128x64xf32, #tpu.memory_space<vmem>>
      %dma_start3A_197 = tpu.memref_slice %arg10[%mul3A_190] : memref<3328xi32, #tpu.memory_space<vmem>> -> memref<128xi32, #tpu.memory_space<vmem>>
      %dma_start3A_198 = arith.constant 0 : i32
      %dma_start3A_199 = arith.constant 0 : i32
      %dma_start3A_200 = tpu.memref_slice %arg2[%dma_start3A_198, %dma_start3A_199] : memref<100000x64xf32, #tpu.memory_space<hbm>> -> memref<100000x64xf32, #tpu.memory_space<hbm>>
      %dma_start3A_201 = tpu.memref_slice %arg14[%dma_start3A_192] : memref<4x!tpu.dma_semaphore, #tpu.memory_space<semaphore_mem>> -> memref<1x!tpu.dma_semaphore, #tpu.memory_space<semaphore_mem>>
      %dma_start3A_202 = tpu.memref_squeeze %dma_start3A_201 : memref<1x!tpu.dma_semaphore, #tpu.memory_space<semaphore_mem>> -> memref<!tpu.dma_semaphore, #tpu.memory_space<semaphore_mem>>
      tpu.enqueue_indirect_dma source(%dma_start3A_200 : memref<100000x64xf32, #tpu.memory_space<hbm>>) target(%dma_start3A_196 : memref<128x64xf32, #tpu.memory_space<vmem>>) offsets(%dma_start3A_197 : memref<128xi32, #tpu.memory_space<vmem>>) semaphore(%dma_start3A_202 : memref<!tpu.dma_semaphore, #tpu.memory_space<semaphore_mem>>)
      %dma_wait3A_203 = arith.constant 0 : i32
      %dma_wait3A_204 = arith.constant 0 : i32
      %dma_wait3A_205 = arith.constant 0 : i32
      %dma_wait3A_206 = arith.constant 0 : i32
      %dma_wait3A_207 = tpu.memref_slice %arg12[%dma_wait3A_203, %dma_wait3A_205, %dma_wait3A_206] : memref<4x128x64xf32, #tpu.memory_space<vmem>> -> memref<1x128x64xf32, #tpu.memory_space<vmem>>
      %dma_wait3A_208 = tpu.memref_squeeze %dma_wait3A_207 : memref<1x128x64xf32, #tpu.memory_space<vmem>> -> memref<128x64xf32, #tpu.memory_space<vmem>>
      %dma_wait3A_209 = tpu.memref_slice %arg10[%mul3A_142] : memref<3328xi32, #tpu.memory_space<vmem>> -> memref<128xi32, #tpu.memory_space<vmem>>
      %dma_wait3A_210 = arith.constant 0 : i32
      %dma_wait3A_211 = arith.constant 0 : i32
      %dma_wait3A_212 = tpu.memref_slice %arg2[%dma_wait3A_210, %dma_wait3A_211] : memref<100000x64xf32, #tpu.memory_space<hbm>> -> memref<100000x64xf32, #tpu.memory_space<hbm>>
      %dma_wait3A_213 = tpu.memref_slice %arg14[%dma_wait3A_204] : memref<4x!tpu.dma_semaphore, #tpu.memory_space<semaphore_mem>> -> memref<1x!tpu.dma_semaphore, #tpu.memory_space<semaphore_mem>>
      %dma_wait3A_214 = tpu.memref_squeeze %dma_wait3A_213 : memref<1x!tpu.dma_semaphore, #tpu.memory_space<semaphore_mem>> -> memref<!tpu.dma_semaphore, #tpu.memory_space<semaphore_mem>>
      tpu.wait_indirect_dma semaphore(%dma_wait3A_214 : memref<!tpu.dma_semaphore, #tpu.memory_space<semaphore_mem>>) src(%dma_wait3A_212 : memref<100000x64xf32, #tpu.memory_space<hbm>>) dst(%dma_wait3A_208 : memref<128x64xf32, #tpu.memory_space<vmem>>)
      %add3A_215 = arith.constant 0 : i32
      %add3A_216 = arith.addi %mul3A_138, %add3A_215 : i32
      %mul3A_217 = arith.constant 128 : i32
      %mul3A_218 = arith.muli %add3A_216, %mul3A_217 : i32
      %add3A_219 = arith.addi %mul3A_6, %mul3A_218 : i32
      %dma_start3A_220 = arith.constant 0 : i32
      %dma_start3A_221 = arith.constant 0 : i32
      %dma_start3A_222 = arith.constant 0 : i32
      %dma_start3A_223 = arith.constant 0 : i32
      %dma_start3A_224 = tpu.memref_slice %arg12[%dma_start3A_220, %dma_start3A_222, %dma_start3A_223] : memref<4x128x64xf32, #tpu.memory_space<vmem>> -> memref<1x128x64xf32, #tpu.memory_space<vmem>>
      %dma_start3A_225 = tpu.memref_squeeze %dma_start3A_224 : memref<1x128x64xf32, #tpu.memory_space<vmem>> -> memref<128x64xf32, #tpu.memory_space<vmem>>
      %dma_start3A_226 = arith.constant 0 : i32
      %dma_start3A_227 = tpu.memref_slice %arg7[%add3A_219, %dma_start3A_226] : memref<106496x64xf32, #tpu.memory_space<hbm>> -> memref<128x64xf32, #tpu.memory_space<hbm>>
      %dma_start3A_228 = tpu.memref_slice %arg15[%dma_start3A_221] : memref<4x!tpu.dma_semaphore, #tpu.memory_space<semaphore_mem>> -> memref<1x!tpu.dma_semaphore, #tpu.memory_space<semaphore_mem>>
      %dma_start3A_229 = tpu.memref_squeeze %dma_start3A_228 : memref<1x!tpu.dma_semaphore, #tpu.memory_space<semaphore_mem>> -> memref<!tpu.dma_semaphore, #tpu.memory_space<semaphore_mem>>
      %dma_start3A_230 = arith.constant 0 : i32
      %dma_start3A_231 = tpu.memref_slice %arg7[%add3A_219, %dma_start3A_230] : memref<106496x64xf32, #tpu.memory_space<hbm>> -> memref<128x64xf32, #tpu.memory_space<hbm>>
      %dma_start3A_232 = arith.constant 0 : i32
      %dma_start3A_233 = arith.constant 0 : i32
      %dma_start3A_234 = tpu.memref_slice %arg12[%dma_start3A_220, %dma_start3A_232, %dma_start3A_233] : memref<4x128x64xf32, #tpu.memory_space<vmem>> -> memref<1x128x64xf32, #tpu.memory_space<vmem>>
      %dma_start3A_235 = tpu.memref_squeeze %dma_start3A_234 : memref<1x128x64xf32, #tpu.memory_space<vmem>> -> memref<128x64xf32, #tpu.memory_space<vmem>>
      tpu.enqueue_dma source(%dma_start3A_235 : memref<128x64xf32, #tpu.memory_space<vmem>>) target(%dma_start3A_231 : memref<128x64xf32, #tpu.memory_space<hbm>>) target_semaphore(%dma_start3A_229 : memref<!tpu.dma_semaphore, #tpu.memory_space<semaphore_mem>>)
      %dma_wait3A_236 = arith.constant 1 : i32
      %dma_wait3A_237 = arith.constant 1 : i32
      %dma_wait3A_238 = arith.constant 0 : i32
      %dma_wait3A_239 = arith.constant 0 : i32
      %dma_wait3A_240 = tpu.memref_slice %arg12[%dma_wait3A_236, %dma_wait3A_238, %dma_wait3A_239] : memref<4x128x64xf32, #tpu.memory_space<vmem>> -> memref<1x128x64xf32, #tpu.memory_space<vmem>>
      %dma_wait3A_241 = tpu.memref_squeeze %dma_wait3A_240 : memref<1x128x64xf32, #tpu.memory_space<vmem>> -> memref<128x64xf32, #tpu.memory_space<vmem>>
      %dma_wait3A_242 = tpu.memref_slice %arg10[%mul3A_158] : memref<3328xi32, #tpu.memory_space<vmem>> -> memref<128xi32, #tpu.memory_space<vmem>>
      %dma_wait3A_243 = arith.constant 0 : i32
      %dma_wait3A_244 = arith.constant 0 : i32
      %dma_wait3A_245 = tpu.memref_slice %arg2[%dma_wait3A_243, %dma_wait3A_244] : memref<100000x64xf32, #tpu.memory_space<hbm>> -> memref<100000x64xf32, #tpu.memory_space<hbm>>
      %dma_wait3A_246 = tpu.memref_slice %arg14[%dma_wait3A_237] : memref<4x!tpu.dma_semaphore, #tpu.memory_space<semaphore_mem>> -> memref<1x!tpu.dma_semaphore, #tpu.memory_space<semaphore_mem>>
      %dma_wait3A_247 = tpu.memref_squeeze %dma_wait3A_246 : memref<1x!tpu.dma_semaphore, #tpu.memory_space<semaphore_mem>> -> memref<!tpu.dma_semaphore, #tpu.memory_space<semaphore_mem>>
      tpu.wait_indirect_dma semaphore(%dma_wait3A_247 : memref<!tpu.dma_semaphore, #tpu.memory_space<semaphore_mem>>) src(%dma_wait3A_245 : memref<100000x64xf32, #tpu.memory_space<hbm>>) dst(%dma_wait3A_241 : memref<128x64xf32, #tpu.memory_space<vmem>>)
      %add3A_248 = arith.constant 1 : i32
      %add3A_249 = arith.addi %mul3A_138, %add3A_248 : i32
      %mul3A_250 = arith.constant 128 : i32
      %mul3A_251 = arith.muli %add3A_249, %mul3A_250 : i32
      %add3A_252 = arith.addi %mul3A_6, %mul3A_251 : i32
      %dma_start3A_253 = arith.constant 1 : i32
      %dma_start3A_254 = arith.constant 1 : i32
      %dma_start3A_255 = arith.constant 0 : i32
      %dma_start3A_256 = arith.constant 0 : i32
      %dma_start3A_257 = tpu.memref_slice %arg12[%dma_start3A_253, %dma_start3A_255, %dma_start3A_256] : memref<4x128x64xf32, #tpu.memory_space<vmem>> -> memref<1x128x64xf32, #tpu.memory_space<vmem>>
      %dma_start3A_258 = tpu.memref_squeeze %dma_start3A_257 : memref<1x128x64xf32, #tpu.memory_space<vmem>> -> memref<128x64xf32, #tpu.memory_space<vmem>>
      %dma_start3A_259 = arith.constant 0 : i32
      %dma_start3A_260 = tpu.memref_slice %arg7[%add3A_252, %dma_start3A_259] : memref<106496x64xf32, #tpu.memory_space<hbm>> -> memref<128x64xf32, #tpu.memory_space<hbm>>
      %dma_start3A_261 = tpu.memref_slice %arg15[%dma_start3A_254] : memref<4x!tpu.dma_semaphore, #tpu.memory_space<semaphore_mem>> -> memref<1x!tpu.dma_semaphore, #tpu.memory_space<semaphore_mem>>
      %dma_start3A_262 = tpu.memref_squeeze %dma_start3A_261 : memref<1x!tpu.dma_semaphore, #tpu.memory_space<semaphore_mem>> -> memref<!tpu.dma_semaphore, #tpu.memory_space<semaphore_mem>>
      %dma_start3A_263 = arith.constant 0 : i32
      %dma_start3A_264 = tpu.memref_slice %arg7[%add3A_252, %dma_start3A_263] : memref<106496x64xf32, #tpu.memory_space<hbm>> -> memref<128x64xf32, #tpu.memory_space<hbm>>
      %dma_start3A_265 = arith.constant 0 : i32
      %dma_start3A_266 = arith.constant 0 : i32
      %dma_start3A_267 = tpu.memref_slice %arg12[%dma_start3A_253, %dma_start3A_265, %dma_start3A_266] : memref<4x128x64xf32, #tpu.memory_space<vmem>> -> memref<1x128x64xf32, #tpu.memory_space<vmem>>
      %dma_start3A_268 = tpu.memref_squeeze %dma_start3A_267 : memref<1x128x64xf32, #tpu.memory_space<vmem>> -> memref<128x64xf32, #tpu.memory_space<vmem>>
      tpu.enqueue_dma source(%dma_start3A_268 : memref<128x64xf32, #tpu.memory_space<vmem>>) target(%dma_start3A_264 : memref<128x64xf32, #tpu.memory_space<hbm>>) target_semaphore(%dma_start3A_262 : memref<!tpu.dma_semaphore, #tpu.memory_space<semaphore_mem>>)
      %dma_wait3A_269 = arith.constant 2 : i32
      %dma_wait3A_270 = arith.constant 2 : i32
      %dma_wait3A_271 = arith.constant 0 : i32
      %dma_wait3A_272 = arith.constant 0 : i32
      %dma_wait3A_273 = tpu.memref_slice %arg12[%dma_wait3A_269, %dma_wait3A_271, %dma_wait3A_272] : memref<4x128x64xf32, #tpu.memory_space<vmem>> -> memref<1x128x64xf32, #tpu.memory_space<vmem>>
      %dma_wait3A_274 = tpu.memref_squeeze %dma_wait3A_273 : memref<1x128x64xf32, #tpu.memory_space<vmem>> -> memref<128x64xf32, #tpu.memory_space<vmem>>
      %dma_wait3A_275 = tpu.memref_slice %arg10[%mul3A_174] : memref<3328xi32, #tpu.memory_space<vmem>> -> memref<128xi32, #tpu.memory_space<vmem>>
      %dma_wait3A_276 = arith.constant 0 : i32
      %dma_wait3A_277 = arith.constant 0 : i32
      %dma_wait3A_278 = tpu.memref_slice %arg2[%dma_wait3A_276, %dma_wait3A_277] : memref<100000x64xf32, #tpu.memory_space<hbm>> -> memref<100000x64xf32, #tpu.memory_space<hbm>>
      %dma_wait3A_279 = tpu.memref_slice %arg14[%dma_wait3A_270] : memref<4x!tpu.dma_semaphore, #tpu.memory_space<semaphore_mem>> -> memref<1x!tpu.dma_semaphore, #tpu.memory_space<semaphore_mem>>
      %dma_wait3A_280 = tpu.memref_squeeze %dma_wait3A_279 : memref<1x!tpu.dma_semaphore, #tpu.memory_space<semaphore_mem>> -> memref<!tpu.dma_semaphore, #tpu.memory_space<semaphore_mem>>
      tpu.wait_indirect_dma semaphore(%dma_wait3A_280 : memref<!tpu.dma_semaphore, #tpu.memory_space<semaphore_mem>>) src(%dma_wait3A_278 : memref<100000x64xf32, #tpu.memory_space<hbm>>) dst(%dma_wait3A_274 : memref<128x64xf32, #tpu.memory_space<vmem>>)
      %add3A_281 = arith.constant 2 : i32
      %add3A_282 = arith.addi %mul3A_138, %add3A_281 : i32
      %mul3A_283 = arith.constant 128 : i32
      %mul3A_284 = arith.muli %add3A_282, %mul3A_283 : i32
      %add3A_285 = arith.addi %mul3A_6, %mul3A_284 : i32
      %dma_start3A_286 = arith.constant 2 : i32
      %dma_start3A_287 = arith.constant 2 : i32
      %dma_start3A_288 = arith.constant 0 : i32
      %dma_start3A_289 = arith.constant 0 : i32
      %dma_start3A_290 = tpu.memref_slice %arg12[%dma_start3A_286, %dma_start3A_288, %dma_start3A_289] : memref<4x128x64xf32, #tpu.memory_space<vmem>> -> memref<1x128x64xf32, #tpu.memory_space<vmem>>
      %dma_start3A_291 = tpu.memref_squeeze %dma_start3A_290 : memref<1x128x64xf32, #tpu.memory_space<vmem>> -> memref<128x64xf32, #tpu.memory_space<vmem>>
      %dma_start3A_292 = arith.constant 0 : i32
      %dma_start3A_293 = tpu.memref_slice %arg7[%add3A_285, %dma_start3A_292] : memref<106496x64xf32, #tpu.memory_space<hbm>> -> memref<128x64xf32, #tpu.memory_space<hbm>>
      %dma_start3A_294 = tpu.memref_slice %arg15[%dma_start3A_287] : memref<4x!tpu.dma_semaphore, #tpu.memory_space<semaphore_mem>> -> memref<1x!tpu.dma_semaphore, #tpu.memory_space<semaphore_mem>>
      %dma_start3A_295 = tpu.memref_squeeze %dma_start3A_294 : memref<1x!tpu.dma_semaphore, #tpu.memory_space<semaphore_mem>> -> memref<!tpu.dma_semaphore, #tpu.memory_space<semaphore_mem>>
      %dma_start3A_296 = arith.constant 0 : i32
      %dma_start3A_297 = tpu.memref_slice %arg7[%add3A_285, %dma_start3A_296] : memref<106496x64xf32, #tpu.memory_space<hbm>> -> memref<128x64xf32, #tpu.memory_space<hbm>>
      %dma_start3A_298 = arith.constant 0 : i32
      %dma_start3A_299 = arith.constant 0 : i32
      %dma_start3A_300 = tpu.memref_slice %arg12[%dma_start3A_286, %dma_start3A_298, %dma_start3A_299] : memref<4x128x64xf32, #tpu.memory_space<vmem>> -> memref<1x128x64xf32, #tpu.memory_space<vmem>>
      %dma_start3A_301 = tpu.memref_squeeze %dma_start3A_300 : memref<1x128x64xf32, #tpu.memory_space<vmem>> -> memref<128x64xf32, #tpu.memory_space<vmem>>
      tpu.enqueue_dma source(%dma_start3A_301 : memref<128x64xf32, #tpu.memory_space<vmem>>) target(%dma_start3A_297 : memref<128x64xf32, #tpu.memory_space<hbm>>) target_semaphore(%dma_start3A_295 : memref<!tpu.dma_semaphore, #tpu.memory_space<semaphore_mem>>)
      %dma_wait3A_302 = arith.constant 3 : i32
      %dma_wait3A_303 = arith.constant 3 : i32
      %dma_wait3A_304 = arith.constant 0 : i32
      %dma_wait3A_305 = arith.constant 0 : i32
      %dma_wait3A_306 = tpu.memref_slice %arg12[%dma_wait3A_302, %dma_wait3A_304, %dma_wait3A_305] : memref<4x128x64xf32, #tpu.memory_space<vmem>> -> memref<1x128x64xf32, #tpu.memory_space<vmem>>
      %dma_wait3A_307 = tpu.memref_squeeze %dma_wait3A_306 : memref<1x128x64xf32, #tpu.memory_space<vmem>> -> memref<128x64xf32, #tpu.memory_space<vmem>>
      %dma_wait3A_308 = tpu.memref_slice %arg10[%mul3A_190] : memref<3328xi32, #tpu.memory_space<vmem>> -> memref<128xi32, #tpu.memory_space<vmem>>
      %dma_wait3A_309 = arith.constant 0 : i32
      %dma_wait3A_310 = arith.constant 0 : i32
      %dma_wait3A_311 = tpu.memref_slice %arg2[%dma_wait3A_309, %dma_wait3A_310] : memref<100000x64xf32, #tpu.memory_space<hbm>> -> memref<100000x64xf32, #tpu.memory_space<hbm>>
      %dma_wait3A_312 = tpu.memref_slice %arg14[%dma_wait3A_303] : memref<4x!tpu.dma_semaphore, #tpu.memory_space<semaphore_mem>> -> memref<1x!tpu.dma_semaphore, #tpu.memory_space<semaphore_mem>>
      %dma_wait3A_313 = tpu.memref_squeeze %dma_wait3A_312 : memref<1x!tpu.dma_semaphore, #tpu.memory_space<semaphore_mem>> -> memref<!tpu.dma_semaphore, #tpu.memory_space<semaphore_mem>>
      tpu.wait_indirect_dma semaphore(%dma_wait3A_313 : memref<!tpu.dma_semaphore, #tpu.memory_space<semaphore_mem>>) src(%dma_wait3A_311 : memref<100000x64xf32, #tpu.memory_space<hbm>>) dst(%dma_wait3A_307 : memref<128x64xf32, #tpu.memory_space<vmem>>)
      %add3A_314 = arith.constant 3 : i32
      %add3A_315 = arith.addi %mul3A_138, %add3A_314 : i32
      %mul3A_316 = arith.constant 128 : i32
      %mul3A_317 = arith.muli %add3A_315, %mul3A_316 : i32
      %add3A_318 = arith.addi %mul3A_6, %mul3A_317 : i32
      %dma_start3A_319 = arith.constant 3 : i32
      %dma_start3A_320 = arith.constant 3 : i32
      %dma_start3A_321 = arith.constant 0 : i32
      %dma_start3A_322 = arith.constant 0 : i32
      %dma_start3A_323 = tpu.memref_slice %arg12[%dma_start3A_319, %dma_start3A_321, %dma_start3A_322] : memref<4x128x64xf32, #tpu.memory_space<vmem>> -> memref<1x128x64xf32, #tpu.memory_space<vmem>>
      %dma_start3A_324 = tpu.memref_squeeze %dma_start3A_323 : memref<1x128x64xf32, #tpu.memory_space<vmem>> -> memref<128x64xf32, #tpu.memory_space<vmem>>
      %dma_start3A_325 = arith.constant 0 : i32
      %dma_start3A_326 = tpu.memref_slice %arg7[%add3A_318, %dma_start3A_325] : memref<106496x64xf32, #tpu.memory_space<hbm>> -> memref<128x64xf32, #tpu.memory_space<hbm>>
      %dma_start3A_327 = tpu.memref_slice %arg15[%dma_start3A_320] : memref<4x!tpu.dma_semaphore, #tpu.memory_space<semaphore_mem>> -> memref<1x!tpu.dma_semaphore, #tpu.memory_space<semaphore_mem>>
      %dma_start3A_328 = tpu.memref_squeeze %dma_start3A_327 : memref<1x!tpu.dma_semaphore, #tpu.memory_space<semaphore_mem>> -> memref<!tpu.dma_semaphore, #tpu.memory_space<semaphore_mem>>
      %dma_start3A_329 = arith.constant 0 : i32
      %dma_start3A_330 = tpu.memref_slice %arg7[%add3A_318, %dma_start3A_329] : memref<106496x64xf32, #tpu.memory_space<hbm>> -> memref<128x64xf32, #tpu.memory_space<hbm>>
      %dma_start3A_331 = arith.constant 0 : i32
      %dma_start3A_332 = arith.constant 0 : i32
      %dma_start3A_333 = tpu.memref_slice %arg12[%dma_start3A_319, %dma_start3A_331, %dma_start3A_332] : memref<4x128x64xf32, #tpu.memory_space<vmem>> -> memref<1x128x64xf32, #tpu.memory_space<vmem>>
      %dma_start3A_334 = tpu.memref_squeeze %dma_start3A_333 : memref<1x128x64xf32, #tpu.memory_space<vmem>> -> memref<128x64xf32, #tpu.memory_space<vmem>>
      tpu.enqueue_dma source(%dma_start3A_334 : memref<128x64xf32, #tpu.memory_space<vmem>>) target(%dma_start3A_330 : memref<128x64xf32, #tpu.memory_space<hbm>>) target_semaphore(%dma_start3A_328 : memref<!tpu.dma_semaphore, #tpu.memory_space<semaphore_mem>>)
      %dma_wait3A_335 = arith.constant 0 : i32
      %dma_wait3A_336 = arith.constant 0 : i32
      %dma_wait3A_337 = arith.constant 0 : i32
      %dma_wait3A_338 = arith.constant 0 : i32
      %dma_wait3A_339 = tpu.memref_slice %arg12[%dma_wait3A_335, %dma_wait3A_337, %dma_wait3A_338] : memref<4x128x64xf32, #tpu.memory_space<vmem>> -> memref<1x128x64xf32, #tpu.memory_space<vmem>>
      %dma_wait3A_340 = tpu.memref_squeeze %dma_wait3A_339 : memref<1x128x64xf32, #tpu.memory_space<vmem>> -> memref<128x64xf32, #tpu.memory_space<vmem>>
      %dma_wait3A_341 = arith.constant 0 : i32
      %dma_wait3A_342 = tpu.memref_slice %arg7[%add3A_219, %dma_wait3A_341] : memref<106496x64xf32, #tpu.memory_space<hbm>> -> memref<128x64xf32, #tpu.memory_space<hbm>>
      %dma_wait3A_343 = tpu.memref_slice %arg15[%dma_wait3A_336] : memref<4x!tpu.dma_semaphore, #tpu.memory_space<semaphore_mem>> -> memref<1x!tpu.dma_semaphore, #tpu.memory_space<semaphore_mem>>
      %dma_wait3A_344 = tpu.memref_squeeze %dma_wait3A_343 : memref<1x!tpu.dma_semaphore, #tpu.memory_space<semaphore_mem>> -> memref<!tpu.dma_semaphore, #tpu.memory_space<semaphore_mem>>
      %dma_wait3A_345 = arith.constant 0 : i32
      %dma_wait3A_346 = tpu.memref_slice %arg7[%add3A_219, %dma_wait3A_345] : memref<106496x64xf32, #tpu.memory_space<hbm>> -> memref<128x64xf32, #tpu.memory_space<hbm>>
      %dma_wait3A_347 = arith.constant 0 : i32
      %dma_wait3A_348 = arith.constant 0 : i32
      %dma_wait3A_349 = tpu.memref_slice %arg12[%dma_wait3A_335, %dma_wait3A_347, %dma_wait3A_348] : memref<4x128x64xf32, #tpu.memory_space<vmem>> -> memref<1x128x64xf32, #tpu.memory_space<vmem>>
      %dma_wait3A_350 = tpu.memref_squeeze %dma_wait3A_349 : memref<1x128x64xf32, #tpu.memory_space<vmem>> -> memref<128x64xf32, #tpu.memory_space<vmem>>
      tpu.wait_dma2 semaphore(%dma_wait3A_344 : memref<!tpu.dma_semaphore, #tpu.memory_space<semaphore_mem>>) src(%dma_wait3A_350 : memref<128x64xf32, #tpu.memory_space<vmem>>) dst(%dma_wait3A_346 : memref<128x64xf32, #tpu.memory_space<hbm>>)
      %dma_wait3A_351 = arith.constant 1 : i32
      %dma_wait3A_352 = arith.constant 1 : i32
      %dma_wait3A_353 = arith.constant 0 : i32
      %dma_wait3A_354 = arith.constant 0 : i32
      %dma_wait3A_355 = tpu.memref_slice %arg12[%dma_wait3A_351, %dma_wait3A_353, %dma_wait3A_354] : memref<4x128x64xf32, #tpu.memory_space<vmem>> -> memref<1x128x64xf32, #tpu.memory_space<vmem>>
      %dma_wait3A_356 = tpu.memref_squeeze %dma_wait3A_355 : memref<1x128x64xf32, #tpu.memory_space<vmem>> -> memref<128x64xf32, #tpu.memory_space<vmem>>
      %dma_wait3A_357 = arith.constant 0 : i32
      %dma_wait3A_358 = tpu.memref_slice %arg7[%add3A_252, %dma_wait3A_357] : memref<106496x64xf32, #tpu.memory_space<hbm>> -> memref<128x64xf32, #tpu.memory_space<hbm>>
      %dma_wait3A_359 = tpu.memref_slice %arg15[%dma_wait3A_352] : memref<4x!tpu.dma_semaphore, #tpu.memory_space<semaphore_mem>> -> memref<1x!tpu.dma_semaphore, #tpu.memory_space<semaphore_mem>>
      %dma_wait3A_360 = tpu.memref_squeeze %dma_wait3A_359 : memref<1x!tpu.dma_semaphore, #tpu.memory_space<semaphore_mem>> -> memref<!tpu.dma_semaphore, #tpu.memory_space<semaphore_mem>>
      %dma_wait3A_361 = arith.constant 0 : i32
      %dma_wait3A_362 = tpu.memref_slice %arg7[%add3A_252, %dma_wait3A_361] : memref<106496x64xf32, #tpu.memory_space<hbm>> -> memref<128x64xf32, #tpu.memory_space<hbm>>
      %dma_wait3A_363 = arith.constant 0 : i32
      %dma_wait3A_364 = arith.constant 0 : i32
      %dma_wait3A_365 = tpu.memref_slice %arg12[%dma_wait3A_351, %dma_wait3A_363, %dma_wait3A_364] : memref<4x128x64xf32, #tpu.memory_space<vmem>> -> memref<1x128x64xf32, #tpu.memory_space<vmem>>
      %dma_wait3A_366 = tpu.memref_squeeze %dma_wait3A_365 : memref<1x128x64xf32, #tpu.memory_space<vmem>> -> memref<128x64xf32, #tpu.memory_space<vmem>>
      tpu.wait_dma2 semaphore(%dma_wait3A_360 : memref<!tpu.dma_semaphore, #tpu.memory_space<semaphore_mem>>) src(%dma_wait3A_366 : memref<128x64xf32, #tpu.memory_space<vmem>>) dst(%dma_wait3A_362 : memref<128x64xf32, #tpu.memory_space<hbm>>)
      %dma_wait3A_367 = arith.constant 2 : i32
      %dma_wait3A_368 = arith.constant 2 : i32
      %dma_wait3A_369 = arith.constant 0 : i32
      %dma_wait3A_370 = arith.constant 0 : i32
      %dma_wait3A_371 = tpu.memref_slice %arg12[%dma_wait3A_367, %dma_wait3A_369, %dma_wait3A_370] : memref<4x128x64xf32, #tpu.memory_space<vmem>> -> memref<1x128x64xf32, #tpu.memory_space<vmem>>
      %dma_wait3A_372 = tpu.memref_squeeze %dma_wait3A_371 : memref<1x128x64xf32, #tpu.memory_space<vmem>> -> memref<128x64xf32, #tpu.memory_space<vmem>>
      %dma_wait3A_373 = arith.constant 0 : i32
      %dma_wait3A_374 = tpu.memref_slice %arg7[%add3A_285, %dma_wait3A_373] : memref<106496x64xf32, #tpu.memory_space<hbm>> -> memref<128x64xf32, #tpu.memory_space<hbm>>
      %dma_wait3A_375 = tpu.memref_slice %arg15[%dma_wait3A_368] : memref<4x!tpu.dma_semaphore, #tpu.memory_space<semaphore_mem>> -> memref<1x!tpu.dma_semaphore, #tpu.memory_space<semaphore_mem>>
      %dma_wait3A_376 = tpu.memref_squeeze %dma_wait3A_375 : memref<1x!tpu.dma_semaphore, #tpu.memory_space<semaphore_mem>> -> memref<!tpu.dma_semaphore, #tpu.memory_space<semaphore_mem>>
      %dma_wait3A_377 = arith.constant 0 : i32
      %dma_wait3A_378 = tpu.memref_slice %arg7[%add3A_285, %dma_wait3A_377] : memref<106496x64xf32, #tpu.memory_space<hbm>> -> memref<128x64xf32, #tpu.memory_space<hbm>>
      %dma_wait3A_379 = arith.constant 0 : i32
      %dma_wait3A_380 = arith.constant 0 : i32
      %dma_wait3A_381 = tpu.memref_slice %arg12[%dma_wait3A_367, %dma_wait3A_379, %dma_wait3A_380] : memref<4x128x64xf32, #tpu.memory_space<vmem>> -> memref<1x128x64xf32, #tpu.memory_space<vmem>>
      %dma_wait3A_382 = tpu.memref_squeeze %dma_wait3A_381 : memref<1x128x64xf32, #tpu.memory_space<vmem>> -> memref<128x64xf32, #tpu.memory_space<vmem>>
      tpu.wait_dma2 semaphore(%dma_wait3A_376 : memref<!tpu.dma_semaphore, #tpu.memory_space<semaphore_mem>>) src(%dma_wait3A_382 : memref<128x64xf32, #tpu.memory_space<vmem>>) dst(%dma_wait3A_378 : memref<128x64xf32, #tpu.memory_space<hbm>>)
      %dma_wait3A_383 = arith.constant 3 : i32
      %dma_wait3A_384 = arith.constant 3 : i32
      %dma_wait3A_385 = arith.constant 0 : i32
      %dma_wait3A_386 = arith.constant 0 : i32
      %dma_wait3A_387 = tpu.memref_slice %arg12[%dma_wait3A_383, %dma_wait3A_385, %dma_wait3A_386] : memref<4x128x64xf32, #tpu.memory_space<vmem>> -> memref<1x128x64xf32, #tpu.memory_space<vmem>>
      %dma_wait3A_388 = tpu.memref_squeeze %dma_wait3A_387 : memref<1x128x64xf32, #tpu.memory_space<vmem>> -> memref<128x64xf32, #tpu.memory_space<vmem>>
      %dma_wait3A_389 = arith.constant 0 : i32
      %dma_wait3A_390 = tpu.memref_slice %arg7[%add3A_318, %dma_wait3A_389] : memref<106496x64xf32, #tpu.memory_space<hbm>> -> memref<128x64xf32, #tpu.memory_space<hbm>>
      %dma_wait3A_391 = tpu.memref_slice %arg15[%dma_wait3A_384] : memref<4x!tpu.dma_semaphore, #tpu.memory_space<semaphore_mem>> -> memref<1x!tpu.dma_semaphore, #tpu.memory_space<semaphore_mem>>
      %dma_wait3A_392 = tpu.memref_squeeze %dma_wait3A_391 : memref<1x!tpu.dma_semaphore, #tpu.memory_space<semaphore_mem>> -> memref<!tpu.dma_semaphore, #tpu.memory_space<semaphore_mem>>
      %dma_wait3A_393 = arith.constant 0 : i32
      %dma_wait3A_394 = tpu.memref_slice %arg7[%add3A_318, %dma_wait3A_393] : memref<106496x64xf32, #tpu.memory_space<hbm>> -> memref<128x64xf32, #tpu.memory_space<hbm>>
      %dma_wait3A_395 = arith.constant 0 : i32
      %dma_wait3A_396 = arith.constant 0 : i32
      %dma_wait3A_397 = tpu.memref_slice %arg12[%dma_wait3A_383, %dma_wait3A_395, %dma_wait3A_396] : memref<4x128x64xf32, #tpu.memory_space<vmem>> -> memref<1x128x64xf32, #tpu.memory_space<vmem>>
      %dma_wait3A_398 = tpu.memref_squeeze %dma_wait3A_397 : memref<1x128x64xf32, #tpu.memory_space<vmem>> -> memref<128x64xf32, #tpu.memory_space<vmem>>
      tpu.wait_dma2 semaphore(%dma_wait3A_392 : memref<!tpu.dma_semaphore, #tpu.memory_space<semaphore_mem>>) src(%dma_wait3A_398 : memref<128x64xf32, #tpu.memory_space<vmem>>) dst(%dma_wait3A_394 : memref<128x64xf32, #tpu.memory_space<hbm>>)
    }
    %scan3A_10 = arith.constant 6 : i32
    %dma_start3A = arith.constant 0 : i32
    %dma_start3A_11 = arith.constant 0 : i32
    %dma_start3A_12 = arith.constant 0 : i32
    %dma_start3A_13 = arith.constant 0 : i32
    %dma_start3A_14 = tpu.memref_slice %arg12[%dma_start3A, %dma_start3A_12, %dma_start3A_13] : memref<4x128x64xf32, #tpu.memory_space<vmem>> -> memref<1x128x64xf32, #tpu.memory_space<vmem>>
    %dma_start3A_15 = tpu.memref_squeeze %dma_start3A_14 : memref<1x128x64xf32, #tpu.memory_space<vmem>> -> memref<128x64xf32, #tpu.memory_space<vmem>>
    %dma_start3A_16 = arith.constant 3072 : i32
    %dma_start3A_17 = tpu.memref_slice %arg10[%dma_start3A_16] : memref<3328xi32, #tpu.memory_space<vmem>> -> memref<128xi32, #tpu.memory_space<vmem>>
    %dma_start3A_18 = arith.constant 0 : i32
    %dma_start3A_19 = arith.constant 0 : i32
    %dma_start3A_20 = tpu.memref_slice %arg2[%dma_start3A_18, %dma_start3A_19] : memref<100000x64xf32, #tpu.memory_space<hbm>> -> memref<100000x64xf32, #tpu.memory_space<hbm>>
    %dma_start3A_21 = tpu.memref_slice %arg14[%dma_start3A_11] : memref<4x!tpu.dma_semaphore, #tpu.memory_space<semaphore_mem>> -> memref<1x!tpu.dma_semaphore, #tpu.memory_space<semaphore_mem>>
    %dma_start3A_22 = tpu.memref_squeeze %dma_start3A_21 : memref<1x!tpu.dma_semaphore, #tpu.memory_space<semaphore_mem>> -> memref<!tpu.dma_semaphore, #tpu.memory_space<semaphore_mem>>
    tpu.enqueue_indirect_dma source(%dma_start3A_20 : memref<100000x64xf32, #tpu.memory_space<hbm>>) target(%dma_start3A_15 : memref<128x64xf32, #tpu.memory_space<vmem>>) offsets(%dma_start3A_17 : memref<128xi32, #tpu.memory_space<vmem>>) semaphore(%dma_start3A_22 : memref<!tpu.dma_semaphore, #tpu.memory_space<semaphore_mem>>)
    %dma_wait3A = arith.constant 0 : i32
    %dma_wait3A_23 = arith.constant 0 : i32
    %dma_wait3A_24 = arith.constant 0 : i32
    %dma_wait3A_25 = arith.constant 0 : i32
    %dma_wait3A_26 = tpu.memref_slice %arg12[%dma_wait3A, %dma_wait3A_24, %dma_wait3A_25] : memref<4x128x64xf32, #tpu.memory_space<vmem>> -> memref<1x128x64xf32, #tpu.memory_space<vmem>>
    %dma_wait3A_27 = tpu.memref_squeeze %dma_wait3A_26 : memref<1x128x64xf32, #tpu.memory_space<vmem>> -> memref<128x64xf32, #tpu.memory_space<vmem>>
    %dma_wait3A_28 = arith.constant 3072 : i32
    %dma_wait3A_29 = tpu.memref_slice %arg10[%dma_wait3A_28] : memref<3328xi32, #tpu.memory_space<vmem>> -> memref<128xi32, #tpu.memory_space<vmem>>
    %dma_wait3A_30 = arith.constant 0 : i32
    %dma_wait3A_31 = arith.constant 0 : i32
    %dma_wait3A_32 = tpu.memref_slice %arg2[%dma_wait3A_30, %dma_wait3A_31] : memref<100000x64xf32, #tpu.memory_space<hbm>> -> memref<100000x64xf32, #tpu.memory_space<hbm>>
    %dma_wait3A_33 = tpu.memref_slice %arg14[%dma_wait3A_23] : memref<4x!tpu.dma_semaphore, #tpu.memory_space<semaphore_mem>> -> memref<1x!tpu.dma_semaphore, #tpu.memory_space<semaphore_mem>>
    %dma_wait3A_34 = tpu.memref_squeeze %dma_wait3A_33 : memref<1x!tpu.dma_semaphore, #tpu.memory_space<semaphore_mem>> -> memref<!tpu.dma_semaphore, #tpu.memory_space<semaphore_mem>>
    tpu.wait_indirect_dma semaphore(%dma_wait3A_34 : memref<!tpu.dma_semaphore, #tpu.memory_space<semaphore_mem>>) src(%dma_wait3A_32 : memref<100000x64xf32, #tpu.memory_space<hbm>>) dst(%dma_wait3A_27 : memref<128x64xf32, #tpu.memory_space<vmem>>)
    %add3A_35 = arith.constant 3072 : i32
    %add3A_36 = arith.addi %mul3A_6, %add3A_35 : i32
    %dma_start3A_37 = arith.constant 0 : i32
    %dma_start3A_38 = arith.constant 0 : i32
    %dma_start3A_39 = arith.constant 0 : i32
    %dma_start3A_40 = arith.constant 0 : i32
    %dma_start3A_41 = tpu.memref_slice %arg12[%dma_start3A_37, %dma_start3A_39, %dma_start3A_40] : memref<4x128x64xf32, #tpu.memory_space<vmem>> -> memref<1x128x64xf32, #tpu.memory_space<vmem>>
    %dma_start3A_42 = tpu.memref_squeeze %dma_start3A_41 : memref<1x128x64xf32, #tpu.memory_space<vmem>> -> memref<128x64xf32, #tpu.memory_space<vmem>>
    %dma_start3A_43 = arith.constant 0 : i32
    %dma_start3A_44 = tpu.memref_slice %arg7[%add3A_36, %dma_start3A_43] : memref<106496x64xf32, #tpu.memory_space<hbm>> -> memref<128x64xf32, #tpu.memory_space<hbm>>
    %dma_start3A_45 = tpu.memref_slice %arg15[%dma_start3A_38] : memref<4x!tpu.dma_semaphore, #tpu.memory_space<semaphore_mem>> -> memref<1x!tpu.dma_semaphore, #tpu.memory_space<semaphore_mem>>
    %dma_start3A_46 = tpu.memref_squeeze %dma_start3A_45 : memref<1x!tpu.dma_semaphore, #tpu.memory_space<semaphore_mem>> -> memref<!tpu.dma_semaphore, #tpu.memory_space<semaphore_mem>>
    %dma_start3A_47 = arith.constant 0 : i32
    %dma_start3A_48 = tpu.memref_slice %arg7[%add3A_36, %dma_start3A_47] : memref<106496x64xf32, #tpu.memory_space<hbm>> -> memref<128x64xf32, #tpu.memory_space<hbm>>
    %dma_start3A_49 = arith.constant 0 : i32
    %dma_start3A_50 = arith.constant 0 : i32
    %dma_start3A_51 = tpu.memref_slice %arg12[%dma_start3A_37, %dma_start3A_49, %dma_start3A_50] : memref<4x128x64xf32, #tpu.memory_space<vmem>> -> memref<1x128x64xf32, #tpu.memory_space<vmem>>
    %dma_start3A_52 = tpu.memref_squeeze %dma_start3A_51 : memref<1x128x64xf32, #tpu.memory_space<vmem>> -> memref<128x64xf32, #tpu.memory_space<vmem>>
    tpu.enqueue_dma source(%dma_start3A_52 : memref<128x64xf32, #tpu.memory_space<vmem>>) target(%dma_start3A_48 : memref<128x64xf32, #tpu.memory_space<hbm>>) target_semaphore(%dma_start3A_46 : memref<!tpu.dma_semaphore, #tpu.memory_space<semaphore_mem>>)
    %dma_wait3A_53 = arith.constant 0 : i32
    %dma_wait3A_54 = arith.constant 0 : i32
    %dma_wait3A_55 = arith.constant 0 : i32
    %dma_wait3A_56 = arith.constant 0 : i32
    %dma_wait3A_57 = tpu.memref_slice %arg12[%dma_wait3A_53, %dma_wait3A_55, %dma_wait3A_56] : memref<4x128x64xf32, #tpu.memory_space<vmem>> -> memref<1x128x64xf32, #tpu.memory_space<vmem>>
    %dma_wait3A_58 = tpu.memref_squeeze %dma_wait3A_57 : memref<1x128x64xf32, #tpu.memory_space<vmem>> -> memref<128x64xf32, #tpu.memory_space<vmem>>
    %dma_wait3A_59 = arith.constant 0 : i32
    %dma_wait3A_60 = tpu.memref_slice %arg7[%add3A_36, %dma_wait3A_59] : memref<106496x64xf32, #tpu.memory_space<hbm>> -> memref<128x64xf32, #tpu.memory_space<hbm>>
    %dma_wait3A_61 = tpu.memref_slice %arg15[%dma_wait3A_54] : memref<4x!tpu.dma_semaphore, #tpu.memory_space<semaphore_mem>> -> memref<1x!tpu.dma_semaphore, #tpu.memory_space<semaphore_mem>>
    %dma_wait3A_62 = tpu.memref_squeeze %dma_wait3A_61 : memref<1x!tpu.dma_semaphore, #tpu.memory_space<semaphore_mem>> -> memref<!tpu.dma_semaphore, #tpu.memory_space<semaphore_mem>>
    %dma_wait3A_63 = arith.constant 0 : i32
    %dma_wait3A_64 = tpu.memref_slice %arg7[%add3A_36, %dma_wait3A_63] : memref<106496x64xf32, #tpu.memory_space<hbm>> -> memref<128x64xf32, #tpu.memory_space<hbm>>
    %dma_wait3A_65 = arith.constant 0 : i32
    %dma_wait3A_66 = arith.constant 0 : i32
    %dma_wait3A_67 = tpu.memref_slice %arg12[%dma_wait3A_53, %dma_wait3A_65, %dma_wait3A_66] : memref<4x128x64xf32, #tpu.memory_space<vmem>> -> memref<1x128x64xf32, #tpu.memory_space<vmem>>
    %dma_wait3A_68 = tpu.memref_squeeze %dma_wait3A_67 : memref<1x128x64xf32, #tpu.memory_space<vmem>> -> memref<128x64xf32, #tpu.memory_space<vmem>>
    tpu.wait_dma2 semaphore(%dma_wait3A_62 : memref<!tpu.dma_semaphore, #tpu.memory_space<semaphore_mem>>) src(%dma_wait3A_68 : memref<128x64xf32, #tpu.memory_space<vmem>>) dst(%dma_wait3A_64 : memref<128x64xf32, #tpu.memory_space<hbm>>)
    %dma_start3A_69 = arith.constant 0 : i32
    %dma_start3A_70 = arith.constant 0 : i32
    %dma_start3A_71 = arith.constant 0 : i32
    %dma_start3A_72 = arith.constant 0 : i32
    %dma_start3A_73 = tpu.memref_slice %arg12[%dma_start3A_69, %dma_start3A_71, %dma_start3A_72] : memref<4x128x64xf32, #tpu.memory_space<vmem>> -> memref<1x128x64xf32, #tpu.memory_space<vmem>>
    %dma_start3A_74 = tpu.memref_squeeze %dma_start3A_73 : memref<1x128x64xf32, #tpu.memory_space<vmem>> -> memref<128x64xf32, #tpu.memory_space<vmem>>
    %dma_start3A_75 = arith.constant 3200 : i32
    %dma_start3A_76 = tpu.memref_slice %arg10[%dma_start3A_75] : memref<3328xi32, #tpu.memory_space<vmem>> -> memref<128xi32, #tpu.memory_space<vmem>>
    %dma_start3A_77 = arith.constant 0 : i32
    %dma_start3A_78 = arith.constant 0 : i32
    %dma_start3A_79 = tpu.memref_slice %arg2[%dma_start3A_77, %dma_start3A_78] : memref<100000x64xf32, #tpu.memory_space<hbm>> -> memref<100000x64xf32, #tpu.memory_space<hbm>>
    %dma_start3A_80 = tpu.memref_slice %arg14[%dma_start3A_70] : memref<4x!tpu.dma_semaphore, #tpu.memory_space<semaphore_mem>> -> memref<1x!tpu.dma_semaphore, #tpu.memory_space<semaphore_mem>>
    %dma_start3A_81 = tpu.memref_squeeze %dma_start3A_80 : memref<1x!tpu.dma_semaphore, #tpu.memory_space<semaphore_mem>> -> memref<!tpu.dma_semaphore, #tpu.memory_space<semaphore_mem>>
    tpu.enqueue_indirect_dma source(%dma_start3A_79 : memref<100000x64xf32, #tpu.memory_space<hbm>>) target(%dma_start3A_74 : memref<128x64xf32, #tpu.memory_space<vmem>>) offsets(%dma_start3A_76 : memref<128xi32, #tpu.memory_space<vmem>>) semaphore(%dma_start3A_81 : memref<!tpu.dma_semaphore, #tpu.memory_space<semaphore_mem>>)
    %dma_wait3A_82 = arith.constant 0 : i32
    %dma_wait3A_83 = arith.constant 0 : i32
    %dma_wait3A_84 = arith.constant 0 : i32
    %dma_wait3A_85 = arith.constant 0 : i32
    %dma_wait3A_86 = tpu.memref_slice %arg12[%dma_wait3A_82, %dma_wait3A_84, %dma_wait3A_85] : memref<4x128x64xf32, #tpu.memory_space<vmem>> -> memref<1x128x64xf32, #tpu.memory_space<vmem>>
    %dma_wait3A_87 = tpu.memref_squeeze %dma_wait3A_86 : memref<1x128x64xf32, #tpu.memory_space<vmem>> -> memref<128x64xf32, #tpu.memory_space<vmem>>
    %dma_wait3A_88 = arith.constant 3200 : i32
    %dma_wait3A_89 = tpu.memref_slice %arg10[%dma_wait3A_88] : memref<3328xi32, #tpu.memory_space<vmem>> -> memref<128xi32, #tpu.memory_space<vmem>>
    %dma_wait3A_90 = arith.constant 0 : i32
    %dma_wait3A_91 = arith.constant 0 : i32
    %dma_wait3A_92 = tpu.memref_slice %arg2[%dma_wait3A_90, %dma_wait3A_91] : memref<100000x64xf32, #tpu.memory_space<hbm>> -> memref<100000x64xf32, #tpu.memory_space<hbm>>
    %dma_wait3A_93 = tpu.memref_slice %arg14[%dma_wait3A_83] : memref<4x!tpu.dma_semaphore, #tpu.memory_space<semaphore_mem>> -> memref<1x!tpu.dma_semaphore, #tpu.memory_space<semaphore_mem>>
    %dma_wait3A_94 = tpu.memref_squeeze %dma_wait3A_93 : memref<1x!tpu.dma_semaphore, #tpu.memory_space<semaphore_mem>> -> memref<!tpu.dma_semaphore, #tpu.memory_space<semaphore_mem>>
    tpu.wait_indirect_dma semaphore(%dma_wait3A_94 : memref<!tpu.dma_semaphore, #tpu.memory_space<semaphore_mem>>) src(%dma_wait3A_92 : memref<100000x64xf32, #tpu.memory_space<hbm>>) dst(%dma_wait3A_87 : memref<128x64xf32, #tpu.memory_space<vmem>>)
    %add3A_95 = arith.constant 3200 : i32
    %add3A_96 = arith.addi %mul3A_6, %add3A_95 : i32
    %dma_start3A_97 = arith.constant 0 : i32
    %dma_start3A_98 = arith.constant 0 : i32
    %dma_start3A_99 = arith.constant 0 : i32
    %dma_start3A_100 = arith.constant 0 : i32
    %dma_start3A_101 = tpu.memref_slice %arg12[%dma_start3A_97, %dma_start3A_99, %dma_start3A_100] : memref<4x128x64xf32, #tpu.memory_space<vmem>> -> memref<1x128x64xf32, #tpu.memory_space<vmem>>
    %dma_start3A_102 = tpu.memref_squeeze %dma_start3A_101 : memref<1x128x64xf32, #tpu.memory_space<vmem>> -> memref<128x64xf32, #tpu.memory_space<vmem>>
    %dma_start3A_103 = arith.constant 0 : i32
    %dma_start3A_104 = tpu.memref_slice %arg7[%add3A_96, %dma_start3A_103] : memref<106496x64xf32, #tpu.memory_space<hbm>> -> memref<128x64xf32, #tpu.memory_space<hbm>>
    %dma_start3A_105 = tpu.memref_slice %arg15[%dma_start3A_98] : memref<4x!tpu.dma_semaphore, #tpu.memory_space<semaphore_mem>> -> memref<1x!tpu.dma_semaphore, #tpu.memory_space<semaphore_mem>>
    %dma_start3A_106 = tpu.memref_squeeze %dma_start3A_105 : memref<1x!tpu.dma_semaphore, #tpu.memory_space<semaphore_mem>> -> memref<!tpu.dma_semaphore, #tpu.memory_space<semaphore_mem>>
    %dma_start3A_107 = arith.constant 0 : i32
    %dma_start3A_108 = tpu.memref_slice %arg7[%add3A_96, %dma_start3A_107] : memref<106496x64xf32, #tpu.memory_space<hbm>> -> memref<128x64xf32, #tpu.memory_space<hbm>>
    %dma_start3A_109 = arith.constant 0 : i32
    %dma_start3A_110 = arith.constant 0 : i32
    %dma_start3A_111 = tpu.memref_slice %arg12[%dma_start3A_97, %dma_start3A_109, %dma_start3A_110] : memref<4x128x64xf32, #tpu.memory_space<vmem>> -> memref<1x128x64xf32, #tpu.memory_space<vmem>>
    %dma_start3A_112 = tpu.memref_squeeze %dma_start3A_111 : memref<1x128x64xf32, #tpu.memory_space<vmem>> -> memref<128x64xf32, #tpu.memory_space<vmem>>
    tpu.enqueue_dma source(%dma_start3A_112 : memref<128x64xf32, #tpu.memory_space<vmem>>) target(%dma_start3A_108 : memref<128x64xf32, #tpu.memory_space<hbm>>) target_semaphore(%dma_start3A_106 : memref<!tpu.dma_semaphore, #tpu.memory_space<semaphore_mem>>)
    %dma_wait3A_113 = arith.constant 0 : i32
    %dma_wait3A_114 = arith.constant 0 : i32
    %dma_wait3A_115 = arith.constant 0 : i32
    %dma_wait3A_116 = arith.constant 0 : i32
    %dma_wait3A_117 = tpu.memref_slice %arg12[%dma_wait3A_113, %dma_wait3A_115, %dma_wait3A_116] : memref<4x128x64xf32, #tpu.memory_space<vmem>> -> memref<1x128x64xf32, #tpu.memory_space<vmem>>
    %dma_wait3A_118 = tpu.memref_squeeze %dma_wait3A_117 : memref<1x128x64xf32, #tpu.memory_space<vmem>> -> memref<128x64xf32, #tpu.memory_space<vmem>>
    %dma_wait3A_119 = arith.constant 0 : i32
    %dma_wait3A_120 = tpu.memref_slice %arg7[%add3A_96, %dma_wait3A_119] : memref<106496x64xf32, #tpu.memory_space<hbm>> -> memref<128x64xf32, #tpu.memory_space<hbm>>
    %dma_wait3A_121 = tpu.memref_slice %arg15[%dma_wait3A_114] : memref<4x!tpu.dma_semaphore, #tpu.memory_space<semaphore_mem>> -> memref<1x!tpu.dma_semaphore, #tpu.memory_space<semaphore_mem>>
    %dma_wait3A_122 = tpu.memref_squeeze %dma_wait3A_121 : memref<1x!tpu.dma_semaphore, #tpu.memory_space<semaphore_mem>> -> memref<!tpu.dma_semaphore, #tpu.memory_space<semaphore_mem>>
    %dma_wait3A_123 = arith.constant 0 : i32
    %dma_wait3A_124 = tpu.memref_slice %arg7[%add3A_96, %dma_wait3A_123] : memref<106496x64xf32, #tpu.memory_space<hbm>> -> memref<128x64xf32, #tpu.memory_space<hbm>>
    %dma_wait3A_125 = arith.constant 0 : i32
    %dma_wait3A_126 = arith.constant 0 : i32
    %dma_wait3A_127 = tpu.memref_slice %arg12[%dma_wait3A_113, %dma_wait3A_125, %dma_wait3A_126] : memref<4x128x64xf32, #tpu.memory_space<vmem>> -> memref<1x128x64xf32, #tpu.memory_space<vmem>>
    %dma_wait3A_128 = tpu.memref_squeeze %dma_wait3A_127 : memref<1x128x64xf32, #tpu.memory_space<vmem>> -> memref<128x64xf32, #tpu.memory_space<vmem>>
    tpu.wait_dma2 semaphore(%dma_wait3A_122 : memref<!tpu.dma_semaphore, #tpu.memory_space<semaphore_mem>>) src(%dma_wait3A_128 : memref<128x64xf32, #tpu.memory_space<vmem>>) dst(%dma_wait3A_124 : memref<128x64xf32, #tpu.memory_space<hbm>>)
    %mul3A_129 = arith.constant 12800 : i32
    %mul3A_130 = arith.muli %add3A, %mul3A_129 : i32
    %scan3A_131 = arith.constant 0 : i32
    %scan3A_132 = arith.constant 25 : i32
    %scan3A_133 = arith.addi %scan3A_131, %scan3A_132 : i32
    %scan3A_134 = arith.constant 1 : i32
    scf.for %scan3A_136 = %scan3A_131 to %scan3A_133 step %scan3A_134  : i32 {
      %mul3A_137 = arith.constant 4 : i32
      %mul3A_138 = arith.muli %scan3A_136, %mul3A_137 : i32
      %add3A_139 = arith.constant 0 : i32
      %add3A_140 = arith.addi %mul3A_138, %add3A_139 : i32
      %mul3A_141 = arith.constant 128 : i32
      %mul3A_142 = arith.muli %add3A_140, %mul3A_141 : i32
      %dma_start3A_143 = arith.constant 0 : i32
      %dma_start3A_144 = arith.constant 0 : i32
      %dma_start3A_145 = arith.constant 0 : i32
      %dma_start3A_146 = arith.constant 0 : i32
      %dma_start3A_147 = tpu.memref_slice %arg12[%dma_start3A_143, %dma_start3A_145, %dma_start3A_146] : memref<4x128x64xf32, #tpu.memory_space<vmem>> -> memref<1x128x64xf32, #tpu.memory_space<vmem>>
      %dma_start3A_148 = tpu.memref_squeeze %dma_start3A_147 : memref<1x128x64xf32, #tpu.memory_space<vmem>> -> memref<128x64xf32, #tpu.memory_space<vmem>>
      %dma_start3A_149 = tpu.memref_slice %arg11[%mul3A_142] : memref<12800xi32, #tpu.memory_space<vmem>> -> memref<128xi32, #tpu.memory_space<vmem>>
      %dma_start3A_150 = arith.constant 0 : i32
      %dma_start3A_151 = arith.constant 0 : i32
      %dma_start3A_152 = tpu.memref_slice %arg3[%dma_start3A_150, %dma_start3A_151] : memref<100000x64xf32, #tpu.memory_space<hbm>> -> memref<100000x64xf32, #tpu.memory_space<hbm>>
      %dma_start3A_153 = tpu.memref_slice %arg14[%dma_start3A_144] : memref<4x!tpu.dma_semaphore, #tpu.memory_space<semaphore_mem>> -> memref<1x!tpu.dma_semaphore, #tpu.memory_space<semaphore_mem>>
      %dma_start3A_154 = tpu.memref_squeeze %dma_start3A_153 : memref<1x!tpu.dma_semaphore, #tpu.memory_space<semaphore_mem>> -> memref<!tpu.dma_semaphore, #tpu.memory_space<semaphore_mem>>
      tpu.enqueue_indirect_dma source(%dma_start3A_152 : memref<100000x64xf32, #tpu.memory_space<hbm>>) target(%dma_start3A_148 : memref<128x64xf32, #tpu.memory_space<vmem>>) offsets(%dma_start3A_149 : memref<128xi32, #tpu.memory_space<vmem>>) semaphore(%dma_start3A_154 : memref<!tpu.dma_semaphore, #tpu.memory_space<semaphore_mem>>)
      %dma_start3A_155 = arith.constant 0 : i32
      %dma_start3A_156 = arith.constant 0 : i32
      %dma_start3A_157 = arith.constant 0 : i32
      %dma_start3A_158 = tpu.memref_slice %arg13[%dma_start3A_155, %dma_start3A_157] : memref<4x128xf32, #tpu.memory_space<vmem>> -> memref<1x128xf32, #tpu.memory_space<vmem>>
      %dma_start3A_159 = tpu.memref_squeeze %dma_start3A_158 : memref<1x128xf32, #tpu.memory_space<vmem>> -> memref<128xf32, #tpu.memory_space<vmem>>
      %dma_start3A_160 = tpu.memref_slice %arg11[%mul3A_142] : memref<12800xi32, #tpu.memory_space<vmem>> -> memref<128xi32, #tpu.memory_space<vmem>>
      %dma_start3A_161 = arith.constant 0 : i32
      %dma_start3A_162 = tpu.memref_slice %arg4[%dma_start3A_161] : memref<100000xf32, #tpu.memory_space<hbm>> -> memref<100000xf32, #tpu.memory_space<hbm>>
      %dma_start3A_163 = tpu.memref_slice %arg16[%dma_start3A_156] : memref<4x!tpu.dma_semaphore, #tpu.memory_space<semaphore_mem>> -> memref<1x!tpu.dma_semaphore, #tpu.memory_space<semaphore_mem>>
      %dma_start3A_164 = tpu.memref_squeeze %dma_start3A_163 : memref<1x!tpu.dma_semaphore, #tpu.memory_space<semaphore_mem>> -> memref<!tpu.dma_semaphore, #tpu.memory_space<semaphore_mem>>
      tpu.enqueue_indirect_dma source(%dma_start3A_162 : memref<100000xf32, #tpu.memory_space<hbm>>) target(%dma_start3A_159 : memref<128xf32, #tpu.memory_space<vmem>>) offsets(%dma_start3A_160 : memref<128xi32, #tpu.memory_space<vmem>>) semaphore(%dma_start3A_164 : memref<!tpu.dma_semaphore, #tpu.memory_space<semaphore_mem>>)
      %add3A_165 = arith.constant 1 : i32
      %add3A_166 = arith.addi %mul3A_138, %add3A_165 : i32
      %mul3A_167 = arith.constant 128 : i32
      %mul3A_168 = arith.muli %add3A_166, %mul3A_167 : i32
      %dma_start3A_169 = arith.constant 1 : i32
      %dma_start3A_170 = arith.constant 1 : i32
      %dma_start3A_171 = arith.constant 0 : i32
      %dma_start3A_172 = arith.constant 0 : i32
      %dma_start3A_173 = tpu.memref_slice %arg12[%dma_start3A_169, %dma_start3A_171, %dma_start3A_172] : memref<4x128x64xf32, #tpu.memory_space<vmem>> -> memref<1x128x64xf32, #tpu.memory_space<vmem>>
      %dma_start3A_174 = tpu.memref_squeeze %dma_start3A_173 : memref<1x128x64xf32, #tpu.memory_space<vmem>> -> memref<128x64xf32, #tpu.memory_space<vmem>>
      %dma_start3A_175 = tpu.memref_slice %arg11[%mul3A_168] : memref<12800xi32, #tpu.memory_space<vmem>> -> memref<128xi32, #tpu.memory_space<vmem>>
      %dma_start3A_176 = arith.constant 0 : i32
      %dma_start3A_177 = arith.constant 0 : i32
      %dma_start3A_178 = tpu.memref_slice %arg3[%dma_start3A_176, %dma_start3A_177] : memref<100000x64xf32, #tpu.memory_space<hbm>> -> memref<100000x64xf32, #tpu.memory_space<hbm>>
      %dma_start3A_179 = tpu.memref_slice %arg14[%dma_start3A_170] : memref<4x!tpu.dma_semaphore, #tpu.memory_space<semaphore_mem>> -> memref<1x!tpu.dma_semaphore, #tpu.memory_space<semaphore_mem>>
      %dma_start3A_180 = tpu.memref_squeeze %dma_start3A_179 : memref<1x!tpu.dma_semaphore, #tpu.memory_space<semaphore_mem>> -> memref<!tpu.dma_semaphore, #tpu.memory_space<semaphore_mem>>
      tpu.enqueue_indirect_dma source(%dma_start3A_178 : memref<100000x64xf32, #tpu.memory_space<hbm>>) target(%dma_start3A_174 : memref<128x64xf32, #tpu.memory_space<vmem>>) offsets(%dma_start3A_175 : memref<128xi32, #tpu.memory_space<vmem>>) semaphore(%dma_start3A_180 : memref<!tpu.dma_semaphore, #tpu.memory_space<semaphore_mem>>)
      %dma_start3A_181 = arith.constant 1 : i32
      %dma_start3A_182 = arith.constant 1 : i32
      %dma_start3A_183 = arith.constant 0 : i32
      %dma_start3A_184 = tpu.memref_slice %arg13[%dma_start3A_181, %dma_start3A_183] : memref<4x128xf32, #tpu.memory_space<vmem>> -> memref<1x128xf32, #tpu.memory_space<vmem>>
      %dma_start3A_185 = tpu.memref_squeeze %dma_start3A_184 : memref<1x128xf32, #tpu.memory_space<vmem>> -> memref<128xf32, #tpu.memory_space<vmem>>
      %dma_start3A_186 = tpu.memref_slice %arg11[%mul3A_168] : memref<12800xi32, #tpu.memory_space<vmem>> -> memref<128xi32, #tpu.memory_space<vmem>>
      %dma_start3A_187 = arith.constant 0 : i32
      %dma_start3A_188 = tpu.memref_slice %arg4[%dma_start3A_187] : memref<100000xf32, #tpu.memory_space<hbm>> -> memref<100000xf32, #tpu.memory_space<hbm>>
      %dma_start3A_189 = tpu.memref_slice %arg16[%dma_start3A_182] : memref<4x!tpu.dma_semaphore, #tpu.memory_space<semaphore_mem>> -> memref<1x!tpu.dma_semaphore, #tpu.memory_space<semaphore_mem>>
      %dma_start3A_190 = tpu.memref_squeeze %dma_start3A_189 : memref<1x!tpu.dma_semaphore, #tpu.memory_space<semaphore_mem>> -> memref<!tpu.dma_semaphore, #tpu.memory_space<semaphore_mem>>
      tpu.enqueue_indirect_dma source(%dma_start3A_188 : memref<100000xf32, #tpu.memory_space<hbm>>) target(%dma_start3A_185 : memref<128xf32, #tpu.memory_space<vmem>>) offsets(%dma_start3A_186 : memref<128xi32, #tpu.memory_space<vmem>>) semaphore(%dma_start3A_190 : memref<!tpu.dma_semaphore, #tpu.memory_space<semaphore_mem>>)
      %add3A_191 = arith.constant 2 : i32
      %add3A_192 = arith.addi %mul3A_138, %add3A_191 : i32
      %mul3A_193 = arith.constant 128 : i32
      %mul3A_194 = arith.muli %add3A_192, %mul3A_193 : i32
      %dma_start3A_195 = arith.constant 2 : i32
      %dma_start3A_196 = arith.constant 2 : i32
      %dma_start3A_197 = arith.constant 0 : i32
      %dma_start3A_198 = arith.constant 0 : i32
      %dma_start3A_199 = tpu.memref_slice %arg12[%dma_start3A_195, %dma_start3A_197, %dma_start3A_198] : memref<4x128x64xf32, #tpu.memory_space<vmem>> -> memref<1x128x64xf32, #tpu.memory_space<vmem>>
      %dma_start3A_200 = tpu.memref_squeeze %dma_start3A_199 : memref<1x128x64xf32, #tpu.memory_space<vmem>> -> memref<128x64xf32, #tpu.memory_space<vmem>>
      %dma_start3A_201 = tpu.memref_slice %arg11[%mul3A_194] : memref<12800xi32, #tpu.memory_space<vmem>> -> memref<128xi32, #tpu.memory_space<vmem>>
      %dma_start3A_202 = arith.constant 0 : i32
      %dma_start3A_203 = arith.constant 0 : i32
      %dma_start3A_204 = tpu.memref_slice %arg3[%dma_start3A_202, %dma_start3A_203] : memref<100000x64xf32, #tpu.memory_space<hbm>> -> memref<100000x64xf32, #tpu.memory_space<hbm>>
      %dma_start3A_205 = tpu.memref_slice %arg14[%dma_start3A_196] : memref<4x!tpu.dma_semaphore, #tpu.memory_space<semaphore_mem>> -> memref<1x!tpu.dma_semaphore, #tpu.memory_space<semaphore_mem>>
      %dma_start3A_206 = tpu.memref_squeeze %dma_start3A_205 : memref<1x!tpu.dma_semaphore, #tpu.memory_space<semaphore_mem>> -> memref<!tpu.dma_semaphore, #tpu.memory_space<semaphore_mem>>
      tpu.enqueue_indirect_dma source(%dma_start3A_204 : memref<100000x64xf32, #tpu.memory_space<hbm>>) target(%dma_start3A_200 : memref<128x64xf32, #tpu.memory_space<vmem>>) offsets(%dma_start3A_201 : memref<128xi32, #tpu.memory_space<vmem>>) semaphore(%dma_start3A_206 : memref<!tpu.dma_semaphore, #tpu.memory_space<semaphore_mem>>)
      %dma_start3A_207 = arith.constant 2 : i32
      %dma_start3A_208 = arith.constant 2 : i32
      %dma_start3A_209 = arith.constant 0 : i32
      %dma_start3A_210 = tpu.memref_slice %arg13[%dma_start3A_207, %dma_start3A_209] : memref<4x128xf32, #tpu.memory_space<vmem>> -> memref<1x128xf32, #tpu.memory_space<vmem>>
      %dma_start3A_211 = tpu.memref_squeeze %dma_start3A_210 : memref<1x128xf32, #tpu.memory_space<vmem>> -> memref<128xf32, #tpu.memory_space<vmem>>
      %dma_start3A_212 = tpu.memref_slice %arg11[%mul3A_194] : memref<12800xi32, #tpu.memory_space<vmem>> -> memref<128xi32, #tpu.memory_space<vmem>>
      %dma_start3A_213 = arith.constant 0 : i32
      %dma_start3A_214 = tpu.memref_slice %arg4[%dma_start3A_213] : memref<100000xf32, #tpu.memory_space<hbm>> -> memref<100000xf32, #tpu.memory_space<hbm>>
      %dma_start3A_215 = tpu.memref_slice %arg16[%dma_start3A_208] : memref<4x!tpu.dma_semaphore, #tpu.memory_space<semaphore_mem>> -> memref<1x!tpu.dma_semaphore, #tpu.memory_space<semaphore_mem>>
      %dma_start3A_216 = tpu.memref_squeeze %dma_start3A_215 : memref<1x!tpu.dma_semaphore, #tpu.memory_space<semaphore_mem>> -> memref<!tpu.dma_semaphore, #tpu.memory_space<semaphore_mem>>
      tpu.enqueue_indirect_dma source(%dma_start3A_214 : memref<100000xf32, #tpu.memory_space<hbm>>) target(%dma_start3A_211 : memref<128xf32, #tpu.memory_space<vmem>>) offsets(%dma_start3A_212 : memref<128xi32, #tpu.memory_space<vmem>>) semaphore(%dma_start3A_216 : memref<!tpu.dma_semaphore, #tpu.memory_space<semaphore_mem>>)
      %add3A_217 = arith.constant 3 : i32
      %add3A_218 = arith.addi %mul3A_138, %add3A_217 : i32
      %mul3A_219 = arith.constant 128 : i32
      %mul3A_220 = arith.muli %add3A_218, %mul3A_219 : i32
      %dma_start3A_221 = arith.constant 3 : i32
      %dma_start3A_222 = arith.constant 3 : i32
      %dma_start3A_223 = arith.constant 0 : i32
      %dma_start3A_224 = arith.constant 0 : i32
      %dma_start3A_225 = tpu.memref_slice %arg12[%dma_start3A_221, %dma_start3A_223, %dma_start3A_224] : memref<4x128x64xf32, #tpu.memory_space<vmem>> -> memref<1x128x64xf32, #tpu.memory_space<vmem>>
      %dma_start3A_226 = tpu.memref_squeeze %dma_start3A_225 : memref<1x128x64xf32, #tpu.memory_space<vmem>> -> memref<128x64xf32, #tpu.memory_space<vmem>>
      %dma_start3A_227 = tpu.memref_slice %arg11[%mul3A_220] : memref<12800xi32, #tpu.memory_space<vmem>> -> memref<128xi32, #tpu.memory_space<vmem>>
      %dma_start3A_228 = arith.constant 0 : i32
      %dma_start3A_229 = arith.constant 0 : i32
      %dma_start3A_230 = tpu.memref_slice %arg3[%dma_start3A_228, %dma_start3A_229] : memref<100000x64xf32, #tpu.memory_space<hbm>> -> memref<100000x64xf32, #tpu.memory_space<hbm>>
      %dma_start3A_231 = tpu.memref_slice %arg14[%dma_start3A_222] : memref<4x!tpu.dma_semaphore, #tpu.memory_space<semaphore_mem>> -> memref<1x!tpu.dma_semaphore, #tpu.memory_space<semaphore_mem>>
      %dma_start3A_232 = tpu.memref_squeeze %dma_start3A_231 : memref<1x!tpu.dma_semaphore, #tpu.memory_space<semaphore_mem>> -> memref<!tpu.dma_semaphore, #tpu.memory_space<semaphore_mem>>
      tpu.enqueue_indirect_dma source(%dma_start3A_230 : memref<100000x64xf32, #tpu.memory_space<hbm>>) target(%dma_start3A_226 : memref<128x64xf32, #tpu.memory_space<vmem>>) offsets(%dma_start3A_227 : memref<128xi32, #tpu.memory_space<vmem>>) semaphore(%dma_start3A_232 : memref<!tpu.dma_semaphore, #tpu.memory_space<semaphore_mem>>)
      %dma_start3A_233 = arith.constant 3 : i32
      %dma_start3A_234 = arith.constant 3 : i32
      %dma_start3A_235 = arith.constant 0 : i32
      %dma_start3A_236 = tpu.memref_slice %arg13[%dma_start3A_233, %dma_start3A_235] : memref<4x128xf32, #tpu.memory_space<vmem>> -> memref<1x128xf32, #tpu.memory_space<vmem>>
      %dma_start3A_237 = tpu.memref_squeeze %dma_start3A_236 : memref<1x128xf32, #tpu.memory_space<vmem>> -> memref<128xf32, #tpu.memory_space<vmem>>
      %dma_start3A_238 = tpu.memref_slice %arg11[%mul3A_220] : memref<12800xi32, #tpu.memory_space<vmem>> -> memref<128xi32, #tpu.memory_space<vmem>>
      %dma_start3A_239 = arith.constant 0 : i32
      %dma_start3A_240 = tpu.memref_slice %arg4[%dma_start3A_239] : memref<100000xf32, #tpu.memory_space<hbm>> -> memref<100000xf32, #tpu.memory_space<hbm>>
      %dma_start3A_241 = tpu.memref_slice %arg16[%dma_start3A_234] : memref<4x!tpu.dma_semaphore, #tpu.memory_space<semaphore_mem>> -> memref<1x!tpu.dma_semaphore, #tpu.memory_space<semaphore_mem>>
      %dma_start3A_242 = tpu.memref_squeeze %dma_start3A_241 : memref<1x!tpu.dma_semaphore, #tpu.memory_space<semaphore_mem>> -> memref<!tpu.dma_semaphore, #tpu.memory_space<semaphore_mem>>
      tpu.enqueue_indirect_dma source(%dma_start3A_240 : memref<100000xf32, #tpu.memory_space<hbm>>) target(%dma_start3A_237 : memref<128xf32, #tpu.memory_space<vmem>>) offsets(%dma_start3A_238 : memref<128xi32, #tpu.memory_space<vmem>>) semaphore(%dma_start3A_242 : memref<!tpu.dma_semaphore, #tpu.memory_space<semaphore_mem>>)
      %dma_wait3A_243 = arith.constant 0 : i32
      %dma_wait3A_244 = arith.constant 0 : i32
      %dma_wait3A_245 = arith.constant 0 : i32
      %dma_wait3A_246 = arith.constant 0 : i32
      %dma_wait3A_247 = tpu.memref_slice %arg12[%dma_wait3A_243, %dma_wait3A_245, %dma_wait3A_246] : memref<4x128x64xf32, #tpu.memory_space<vmem>> -> memref<1x128x64xf32, #tpu.memory_space<vmem>>
      %dma_wait3A_248 = tpu.memref_squeeze %dma_wait3A_247 : memref<1x128x64xf32, #tpu.memory_space<vmem>> -> memref<128x64xf32, #tpu.memory_space<vmem>>
      %dma_wait3A_249 = tpu.memref_slice %arg11[%mul3A_142] : memref<12800xi32, #tpu.memory_space<vmem>> -> memref<128xi32, #tpu.memory_space<vmem>>
      %dma_wait3A_250 = arith.constant 0 : i32
      %dma_wait3A_251 = arith.constant 0 : i32
      %dma_wait3A_252 = tpu.memref_slice %arg3[%dma_wait3A_250, %dma_wait3A_251] : memref<100000x64xf32, #tpu.memory_space<hbm>> -> memref<100000x64xf32, #tpu.memory_space<hbm>>
      %dma_wait3A_253 = tpu.memref_slice %arg14[%dma_wait3A_244] : memref<4x!tpu.dma_semaphore, #tpu.memory_space<semaphore_mem>> -> memref<1x!tpu.dma_semaphore, #tpu.memory_space<semaphore_mem>>
      %dma_wait3A_254 = tpu.memref_squeeze %dma_wait3A_253 : memref<1x!tpu.dma_semaphore, #tpu.memory_space<semaphore_mem>> -> memref<!tpu.dma_semaphore, #tpu.memory_space<semaphore_mem>>
      tpu.wait_indirect_dma semaphore(%dma_wait3A_254 : memref<!tpu.dma_semaphore, #tpu.memory_space<semaphore_mem>>) src(%dma_wait3A_252 : memref<100000x64xf32, #tpu.memory_space<hbm>>) dst(%dma_wait3A_248 : memref<128x64xf32, #tpu.memory_space<vmem>>)
      %add3A_255 = arith.constant 0 : i32
      %add3A_256 = arith.addi %mul3A_138, %add3A_255 : i32
      %mul3A_257 = arith.constant 128 : i32
      %mul3A_258 = arith.muli %add3A_256, %mul3A_257 : i32
      %add3A_259 = arith.addi %mul3A_130, %mul3A_258 : i32
      %dma_start3A_260 = arith.constant 0 : i32
      %dma_start3A_261 = arith.constant 0 : i32
      %dma_start3A_262 = arith.constant 0 : i32
      %dma_start3A_263 = arith.constant 0 : i32
      %dma_start3A_264 = tpu.memref_slice %arg12[%dma_start3A_260, %dma_start3A_262, %dma_start3A_263] : memref<4x128x64xf32, #tpu.memory_space<vmem>> -> memref<1x128x64xf32, #tpu.memory_space<vmem>>
      %dma_start3A_265 = tpu.memref_squeeze %dma_start3A_264 : memref<1x128x64xf32, #tpu.memory_space<vmem>> -> memref<128x64xf32, #tpu.memory_space<vmem>>
      %dma_start3A_266 = arith.constant 0 : i32
      %dma_start3A_267 = tpu.memref_slice %arg8[%add3A_259, %dma_start3A_266] : memref<409600x64xf32, #tpu.memory_space<hbm>> -> memref<128x64xf32, #tpu.memory_space<hbm>>
      %dma_start3A_268 = tpu.memref_slice %arg15[%dma_start3A_261] : memref<4x!tpu.dma_semaphore, #tpu.memory_space<semaphore_mem>> -> memref<1x!tpu.dma_semaphore, #tpu.memory_space<semaphore_mem>>
      %dma_start3A_269 = tpu.memref_squeeze %dma_start3A_268 : memref<1x!tpu.dma_semaphore, #tpu.memory_space<semaphore_mem>> -> memref<!tpu.dma_semaphore, #tpu.memory_space<semaphore_mem>>
      %dma_start3A_270 = arith.constant 0 : i32
      %dma_start3A_271 = tpu.memref_slice %arg8[%add3A_259, %dma_start3A_270] : memref<409600x64xf32, #tpu.memory_space<hbm>> -> memref<128x64xf32, #tpu.memory_space<hbm>>
      %dma_start3A_272 = arith.constant 0 : i32
      %dma_start3A_273 = arith.constant 0 : i32
      %dma_start3A_274 = tpu.memref_slice %arg12[%dma_start3A_260, %dma_start3A_272, %dma_start3A_273] : memref<4x128x64xf32, #tpu.memory_space<vmem>> -> memref<1x128x64xf32, #tpu.memory_space<vmem>>
      %dma_start3A_275 = tpu.memref_squeeze %dma_start3A_274 : memref<1x128x64xf32, #tpu.memory_space<vmem>> -> memref<128x64xf32, #tpu.memory_space<vmem>>
      tpu.enqueue_dma source(%dma_start3A_275 : memref<128x64xf32, #tpu.memory_space<vmem>>) target(%dma_start3A_271 : memref<128x64xf32, #tpu.memory_space<hbm>>) target_semaphore(%dma_start3A_269 : memref<!tpu.dma_semaphore, #tpu.memory_space<semaphore_mem>>)
      %dma_wait3A_276 = arith.constant 0 : i32
      %dma_wait3A_277 = arith.constant 0 : i32
      %dma_wait3A_278 = arith.constant 0 : i32
      %dma_wait3A_279 = tpu.memref_slice %arg13[%dma_wait3A_276, %dma_wait3A_278] : memref<4x128xf32, #tpu.memory_space<vmem>> -> memref<1x128xf32, #tpu.memory_space<vmem>>
      %dma_wait3A_280 = tpu.memref_squeeze %dma_wait3A_279 : memref<1x128xf32, #tpu.memory_space<vmem>> -> memref<128xf32, #tpu.memory_space<vmem>>
      %dma_wait3A_281 = tpu.memref_slice %arg11[%mul3A_142] : memref<12800xi32, #tpu.memory_space<vmem>> -> memref<128xi32, #tpu.memory_space<vmem>>
      %dma_wait3A_282 = arith.constant 0 : i32
      %dma_wait3A_283 = tpu.memref_slice %arg4[%dma_wait3A_282] : memref<100000xf32, #tpu.memory_space<hbm>> -> memref<100000xf32, #tpu.memory_space<hbm>>
      %dma_wait3A_284 = tpu.memref_slice %arg16[%dma_wait3A_277] : memref<4x!tpu.dma_semaphore, #tpu.memory_space<semaphore_mem>> -> memref<1x!tpu.dma_semaphore, #tpu.memory_space<semaphore_mem>>
      %dma_wait3A_285 = tpu.memref_squeeze %dma_wait3A_284 : memref<1x!tpu.dma_semaphore, #tpu.memory_space<semaphore_mem>> -> memref<!tpu.dma_semaphore, #tpu.memory_space<semaphore_mem>>
      tpu.wait_indirect_dma semaphore(%dma_wait3A_285 : memref<!tpu.dma_semaphore, #tpu.memory_space<semaphore_mem>>) src(%dma_wait3A_283 : memref<100000xf32, #tpu.memory_space<hbm>>) dst(%dma_wait3A_280 : memref<128xf32, #tpu.memory_space<vmem>>)
      %dma_start3A_286 = arith.constant 0 : i32
      %dma_start3A_287 = arith.constant 0 : i32
      %dma_start3A_288 = arith.constant 0 : i32
      %dma_start3A_289 = tpu.memref_slice %arg13[%dma_start3A_286, %dma_start3A_288] : memref<4x128xf32, #tpu.memory_space<vmem>> -> memref<1x128xf32, #tpu.memory_space<vmem>>
      %dma_start3A_290 = tpu.memref_squeeze %dma_start3A_289 : memref<1x128xf32, #tpu.memory_space<vmem>> -> memref<128xf32, #tpu.memory_space<vmem>>
      %dma_start3A_291 = tpu.memref_slice %arg9[%add3A_259] : memref<409600xf32, #tpu.memory_space<hbm>> -> memref<128xf32, #tpu.memory_space<hbm>>
      %dma_start3A_292 = tpu.memref_slice %arg16[%dma_start3A_287] : memref<4x!tpu.dma_semaphore, #tpu.memory_space<semaphore_mem>> -> memref<1x!tpu.dma_semaphore, #tpu.memory_space<semaphore_mem>>
      %dma_start3A_293 = tpu.memref_squeeze %dma_start3A_292 : memref<1x!tpu.dma_semaphore, #tpu.memory_space<semaphore_mem>> -> memref<!tpu.dma_semaphore, #tpu.memory_space<semaphore_mem>>
      %dma_start3A_294 = tpu.memref_slice %arg9[%add3A_259] : memref<409600xf32, #tpu.memory_space<hbm>> -> memref<128xf32, #tpu.memory_space<hbm>>
      %dma_start3A_295 = arith.constant 0 : i32
      %dma_start3A_296 = tpu.memref_slice %arg13[%dma_start3A_286, %dma_start3A_295] : memref<4x128xf32, #tpu.memory_space<vmem>> -> memref<1x128xf32, #tpu.memory_space<vmem>>
      %dma_start3A_297 = tpu.memref_squeeze %dma_start3A_296 : memref<1x128xf32, #tpu.memory_space<vmem>> -> memref<128xf32, #tpu.memory_space<vmem>>
      tpu.enqueue_dma source(%dma_start3A_297 : memref<128xf32, #tpu.memory_space<vmem>>) target(%dma_start3A_294 : memref<128xf32, #tpu.memory_space<hbm>>) target_semaphore(%dma_start3A_293 : memref<!tpu.dma_semaphore, #tpu.memory_space<semaphore_mem>>)
      %dma_wait3A_298 = arith.constant 1 : i32
      %dma_wait3A_299 = arith.constant 1 : i32
      %dma_wait3A_300 = arith.constant 0 : i32
      %dma_wait3A_301 = arith.constant 0 : i32
      %dma_wait3A_302 = tpu.memref_slice %arg12[%dma_wait3A_298, %dma_wait3A_300, %dma_wait3A_301] : memref<4x128x64xf32, #tpu.memory_space<vmem>> -> memref<1x128x64xf32, #tpu.memory_space<vmem>>
      %dma_wait3A_303 = tpu.memref_squeeze %dma_wait3A_302 : memref<1x128x64xf32, #tpu.memory_space<vmem>> -> memref<128x64xf32, #tpu.memory_space<vmem>>
      %dma_wait3A_304 = tpu.memref_slice %arg11[%mul3A_168] : memref<12800xi32, #tpu.memory_space<vmem>> -> memref<128xi32, #tpu.memory_space<vmem>>
      %dma_wait3A_305 = arith.constant 0 : i32
      %dma_wait3A_306 = arith.constant 0 : i32
      %dma_wait3A_307 = tpu.memref_slice %arg3[%dma_wait3A_305, %dma_wait3A_306] : memref<100000x64xf32, #tpu.memory_space<hbm>> -> memref<100000x64xf32, #tpu.memory_space<hbm>>
      %dma_wait3A_308 = tpu.memref_slice %arg14[%dma_wait3A_299] : memref<4x!tpu.dma_semaphore, #tpu.memory_space<semaphore_mem>> -> memref<1x!tpu.dma_semaphore, #tpu.memory_space<semaphore_mem>>
      %dma_wait3A_309 = tpu.memref_squeeze %dma_wait3A_308 : memref<1x!tpu.dma_semaphore, #tpu.memory_space<semaphore_mem>> -> memref<!tpu.dma_semaphore, #tpu.memory_space<semaphore_mem>>
      tpu.wait_indirect_dma semaphore(%dma_wait3A_309 : memref<!tpu.dma_semaphore, #tpu.memory_space<semaphore_mem>>) src(%dma_wait3A_307 : memref<100000x64xf32, #tpu.memory_space<hbm>>) dst(%dma_wait3A_303 : memref<128x64xf32, #tpu.memory_space<vmem>>)
      %add3A_310 = arith.constant 1 : i32
      %add3A_311 = arith.addi %mul3A_138, %add3A_310 : i32
      %mul3A_312 = arith.constant 128 : i32
      %mul3A_313 = arith.muli %add3A_311, %mul3A_312 : i32
      %add3A_314 = arith.addi %mul3A_130, %mul3A_313 : i32
      %dma_start3A_315 = arith.constant 1 : i32
      %dma_start3A_316 = arith.constant 1 : i32
      %dma_start3A_317 = arith.constant 0 : i32
      %dma_start3A_318 = arith.constant 0 : i32
      %dma_start3A_319 = tpu.memref_slice %arg12[%dma_start3A_315, %dma_start3A_317, %dma_start3A_318] : memref<4x128x64xf32, #tpu.memory_space<vmem>> -> memref<1x128x64xf32, #tpu.memory_space<vmem>>
      %dma_start3A_320 = tpu.memref_squeeze %dma_start3A_319 : memref<1x128x64xf32, #tpu.memory_space<vmem>> -> memref<128x64xf32, #tpu.memory_space<vmem>>
      %dma_start3A_321 = arith.constant 0 : i32
      %dma_start3A_322 = tpu.memref_slice %arg8[%add3A_314, %dma_start3A_321] : memref<409600x64xf32, #tpu.memory_space<hbm>> -> memref<128x64xf32, #tpu.memory_space<hbm>>
      %dma_start3A_323 = tpu.memref_slice %arg15[%dma_start3A_316] : memref<4x!tpu.dma_semaphore, #tpu.memory_space<semaphore_mem>> -> memref<1x!tpu.dma_semaphore, #tpu.memory_space<semaphore_mem>>
      %dma_start3A_324 = tpu.memref_squeeze %dma_start3A_323 : memref<1x!tpu.dma_semaphore, #tpu.memory_space<semaphore_mem>> -> memref<!tpu.dma_semaphore, #tpu.memory_space<semaphore_mem>>
      %dma_start3A_325 = arith.constant 0 : i32
      %dma_start3A_326 = tpu.memref_slice %arg8[%add3A_314, %dma_start3A_325] : memref<409600x64xf32, #tpu.memory_space<hbm>> -> memref<128x64xf32, #tpu.memory_space<hbm>>
      %dma_start3A_327 = arith.constant 0 : i32
      %dma_start3A_328 = arith.constant 0 : i32
      %dma_start3A_329 = tpu.memref_slice %arg12[%dma_start3A_315, %dma_start3A_327, %dma_start3A_328] : memref<4x128x64xf32, #tpu.memory_space<vmem>> -> memref<1x128x64xf32, #tpu.memory_space<vmem>>
      %dma_start3A_330 = tpu.memref_squeeze %dma_start3A_329 : memref<1x128x64xf32, #tpu.memory_space<vmem>> -> memref<128x64xf32, #tpu.memory_space<vmem>>
      tpu.enqueue_dma source(%dma_start3A_330 : memref<128x64xf32, #tpu.memory_space<vmem>>) target(%dma_start3A_326 : memref<128x64xf32, #tpu.memory_space<hbm>>) target_semaphore(%dma_start3A_324 : memref<!tpu.dma_semaphore, #tpu.memory_space<semaphore_mem>>)
      %dma_wait3A_331 = arith.constant 1 : i32
      %dma_wait3A_332 = arith.constant 1 : i32
      %dma_wait3A_333 = arith.constant 0 : i32
      %dma_wait3A_334 = tpu.memref_slice %arg13[%dma_wait3A_331, %dma_wait3A_333] : memref<4x128xf32, #tpu.memory_space<vmem>> -> memref<1x128xf32, #tpu.memory_space<vmem>>
      %dma_wait3A_335 = tpu.memref_squeeze %dma_wait3A_334 : memref<1x128xf32, #tpu.memory_space<vmem>> -> memref<128xf32, #tpu.memory_space<vmem>>
      %dma_wait3A_336 = tpu.memref_slice %arg11[%mul3A_168] : memref<12800xi32, #tpu.memory_space<vmem>> -> memref<128xi32, #tpu.memory_space<vmem>>
      %dma_wait3A_337 = arith.constant 0 : i32
      %dma_wait3A_338 = tpu.memref_slice %arg4[%dma_wait3A_337] : memref<100000xf32, #tpu.memory_space<hbm>> -> memref<100000xf32, #tpu.memory_space<hbm>>
      %dma_wait3A_339 = tpu.memref_slice %arg16[%dma_wait3A_332] : memref<4x!tpu.dma_semaphore, #tpu.memory_space<semaphore_mem>> -> memref<1x!tpu.dma_semaphore, #tpu.memory_space<semaphore_mem>>
      %dma_wait3A_340 = tpu.memref_squeeze %dma_wait3A_339 : memref<1x!tpu.dma_semaphore, #tpu.memory_space<semaphore_mem>> -> memref<!tpu.dma_semaphore, #tpu.memory_space<semaphore_mem>>
      tpu.wait_indirect_dma semaphore(%dma_wait3A_340 : memref<!tpu.dma_semaphore, #tpu.memory_space<semaphore_mem>>) src(%dma_wait3A_338 : memref<100000xf32, #tpu.memory_space<hbm>>) dst(%dma_wait3A_335 : memref<128xf32, #tpu.memory_space<vmem>>)
      %dma_start3A_341 = arith.constant 1 : i32
      %dma_start3A_342 = arith.constant 1 : i32
      %dma_start3A_343 = arith.constant 0 : i32
      %dma_start3A_344 = tpu.memref_slice %arg13[%dma_start3A_341, %dma_start3A_343] : memref<4x128xf32, #tpu.memory_space<vmem>> -> memref<1x128xf32, #tpu.memory_space<vmem>>
      %dma_start3A_345 = tpu.memref_squeeze %dma_start3A_344 : memref<1x128xf32, #tpu.memory_space<vmem>> -> memref<128xf32, #tpu.memory_space<vmem>>
      %dma_start3A_346 = tpu.memref_slice %arg9[%add3A_314] : memref<409600xf32, #tpu.memory_space<hbm>> -> memref<128xf32, #tpu.memory_space<hbm>>
      %dma_start3A_347 = tpu.memref_slice %arg16[%dma_start3A_342] : memref<4x!tpu.dma_semaphore, #tpu.memory_space<semaphore_mem>> -> memref<1x!tpu.dma_semaphore, #tpu.memory_space<semaphore_mem>>
      %dma_start3A_348 = tpu.memref_squeeze %dma_start3A_347 : memref<1x!tpu.dma_semaphore, #tpu.memory_space<semaphore_mem>> -> memref<!tpu.dma_semaphore, #tpu.memory_space<semaphore_mem>>
      %dma_start3A_349 = tpu.memref_slice %arg9[%add3A_314] : memref<409600xf32, #tpu.memory_space<hbm>> -> memref<128xf32, #tpu.memory_space<hbm>>
      %dma_start3A_350 = arith.constant 0 : i32
      %dma_start3A_351 = tpu.memref_slice %arg13[%dma_start3A_341, %dma_start3A_350] : memref<4x128xf32, #tpu.memory_space<vmem>> -> memref<1x128xf32, #tpu.memory_space<vmem>>
      %dma_start3A_352 = tpu.memref_squeeze %dma_start3A_351 : memref<1x128xf32, #tpu.memory_space<vmem>> -> memref<128xf32, #tpu.memory_space<vmem>>
      tpu.enqueue_dma source(%dma_start3A_352 : memref<128xf32, #tpu.memory_space<vmem>>) target(%dma_start3A_349 : memref<128xf32, #tpu.memory_space<hbm>>) target_semaphore(%dma_start3A_348 : memref<!tpu.dma_semaphore, #tpu.memory_space<semaphore_mem>>)
      %dma_wait3A_353 = arith.constant 2 : i32
      %dma_wait3A_354 = arith.constant 2 : i32
      %dma_wait3A_355 = arith.constant 0 : i32
      %dma_wait3A_356 = arith.constant 0 : i32
      %dma_wait3A_357 = tpu.memref_slice %arg12[%dma_wait3A_353, %dma_wait3A_355, %dma_wait3A_356] : memref<4x128x64xf32, #tpu.memory_space<vmem>> -> memref<1x128x64xf32, #tpu.memory_space<vmem>>
      %dma_wait3A_358 = tpu.memref_squeeze %dma_wait3A_357 : memref<1x128x64xf32, #tpu.memory_space<vmem>> -> memref<128x64xf32, #tpu.memory_space<vmem>>
      %dma_wait3A_359 = tpu.memref_slice %arg11[%mul3A_194] : memref<12800xi32, #tpu.memory_space<vmem>> -> memref<128xi32, #tpu.memory_space<vmem>>
      %dma_wait3A_360 = arith.constant 0 : i32
      %dma_wait3A_361 = arith.constant 0 : i32
      %dma_wait3A_362 = tpu.memref_slice %arg3[%dma_wait3A_360, %dma_wait3A_361] : memref<100000x64xf32, #tpu.memory_space<hbm>> -> memref<100000x64xf32, #tpu.memory_space<hbm>>
      %dma_wait3A_363 = tpu.memref_slice %arg14[%dma_wait3A_354] : memref<4x!tpu.dma_semaphore, #tpu.memory_space<semaphore_mem>> -> memref<1x!tpu.dma_semaphore, #tpu.memory_space<semaphore_mem>>
      %dma_wait3A_364 = tpu.memref_squeeze %dma_wait3A_363 : memref<1x!tpu.dma_semaphore, #tpu.memory_space<semaphore_mem>> -> memref<!tpu.dma_semaphore, #tpu.memory_space<semaphore_mem>>
      tpu.wait_indirect_dma semaphore(%dma_wait3A_364 : memref<!tpu.dma_semaphore, #tpu.memory_space<semaphore_mem>>) src(%dma_wait3A_362 : memref<100000x64xf32, #tpu.memory_space<hbm>>) dst(%dma_wait3A_358 : memref<128x64xf32, #tpu.memory_space<vmem>>)
      %add3A_365 = arith.constant 2 : i32
      %add3A_366 = arith.addi %mul3A_138, %add3A_365 : i32
      %mul3A_367 = arith.constant 128 : i32
      %mul3A_368 = arith.muli %add3A_366, %mul3A_367 : i32
      %add3A_369 = arith.addi %mul3A_130, %mul3A_368 : i32
      %dma_start3A_370 = arith.constant 2 : i32
      %dma_start3A_371 = arith.constant 2 : i32
      %dma_start3A_372 = arith.constant 0 : i32
      %dma_start3A_373 = arith.constant 0 : i32
      %dma_start3A_374 = tpu.memref_slice %arg12[%dma_start3A_370, %dma_start3A_372, %dma_start3A_373] : memref<4x128x64xf32, #tpu.memory_space<vmem>> -> memref<1x128x64xf32, #tpu.memory_space<vmem>>
      %dma_start3A_375 = tpu.memref_squeeze %dma_start3A_374 : memref<1x128x64xf32, #tpu.memory_space<vmem>> -> memref<128x64xf32, #tpu.memory_space<vmem>>
      %dma_start3A_376 = arith.constant 0 : i32
      %dma_start3A_377 = tpu.memref_slice %arg8[%add3A_369, %dma_start3A_376] : memref<409600x64xf32, #tpu.memory_space<hbm>> -> memref<128x64xf32, #tpu.memory_space<hbm>>
      %dma_start3A_378 = tpu.memref_slice %arg15[%dma_start3A_371] : memref<4x!tpu.dma_semaphore, #tpu.memory_space<semaphore_mem>> -> memref<1x!tpu.dma_semaphore, #tpu.memory_space<semaphore_mem>>
      %dma_start3A_379 = tpu.memref_squeeze %dma_start3A_378 : memref<1x!tpu.dma_semaphore, #tpu.memory_space<semaphore_mem>> -> memref<!tpu.dma_semaphore, #tpu.memory_space<semaphore_mem>>
      %dma_start3A_380 = arith.constant 0 : i32
      %dma_start3A_381 = tpu.memref_slice %arg8[%add3A_369, %dma_start3A_380] : memref<409600x64xf32, #tpu.memory_space<hbm>> -> memref<128x64xf32, #tpu.memory_space<hbm>>
      %dma_start3A_382 = arith.constant 0 : i32
      %dma_start3A_383 = arith.constant 0 : i32
      %dma_start3A_384 = tpu.memref_slice %arg12[%dma_start3A_370, %dma_start3A_382, %dma_start3A_383] : memref<4x128x64xf32, #tpu.memory_space<vmem>> -> memref<1x128x64xf32, #tpu.memory_space<vmem>>
      %dma_start3A_385 = tpu.memref_squeeze %dma_start3A_384 : memref<1x128x64xf32, #tpu.memory_space<vmem>> -> memref<128x64xf32, #tpu.memory_space<vmem>>
      tpu.enqueue_dma source(%dma_start3A_385 : memref<128x64xf32, #tpu.memory_space<vmem>>) target(%dma_start3A_381 : memref<128x64xf32, #tpu.memory_space<hbm>>) target_semaphore(%dma_start3A_379 : memref<!tpu.dma_semaphore, #tpu.memory_space<semaphore_mem>>)
      %dma_wait3A_386 = arith.constant 2 : i32
      %dma_wait3A_387 = arith.constant 2 : i32
      %dma_wait3A_388 = arith.constant 0 : i32
      %dma_wait3A_389 = tpu.memref_slice %arg13[%dma_wait3A_386, %dma_wait3A_388] : memref<4x128xf32, #tpu.memory_space<vmem>> -> memref<1x128xf32, #tpu.memory_space<vmem>>
      %dma_wait3A_390 = tpu.memref_squeeze %dma_wait3A_389 : memref<1x128xf32, #tpu.memory_space<vmem>> -> memref<128xf32, #tpu.memory_space<vmem>>
      %dma_wait3A_391 = tpu.memref_slice %arg11[%mul3A_194] : memref<12800xi32, #tpu.memory_space<vmem>> -> memref<128xi32, #tpu.memory_space<vmem>>
      %dma_wait3A_392 = arith.constant 0 : i32
      %dma_wait3A_393 = tpu.memref_slice %arg4[%dma_wait3A_392] : memref<100000xf32, #tpu.memory_space<hbm>> -> memref<100000xf32, #tpu.memory_space<hbm>>
      %dma_wait3A_394 = tpu.memref_slice %arg16[%dma_wait3A_387] : memref<4x!tpu.dma_semaphore, #tpu.memory_space<semaphore_mem>> -> memref<1x!tpu.dma_semaphore, #tpu.memory_space<semaphore_mem>>
      %dma_wait3A_395 = tpu.memref_squeeze %dma_wait3A_394 : memref<1x!tpu.dma_semaphore, #tpu.memory_space<semaphore_mem>> -> memref<!tpu.dma_semaphore, #tpu.memory_space<semaphore_mem>>
      tpu.wait_indirect_dma semaphore(%dma_wait3A_395 : memref<!tpu.dma_semaphore, #tpu.memory_space<semaphore_mem>>) src(%dma_wait3A_393 : memref<100000xf32, #tpu.memory_space<hbm>>) dst(%dma_wait3A_390 : memref<128xf32, #tpu.memory_space<vmem>>)
      %dma_start3A_396 = arith.constant 2 : i32
      %dma_start3A_397 = arith.constant 2 : i32
      %dma_start3A_398 = arith.constant 0 : i32
      %dma_start3A_399 = tpu.memref_slice %arg13[%dma_start3A_396, %dma_start3A_398] : memref<4x128xf32, #tpu.memory_space<vmem>> -> memref<1x128xf32, #tpu.memory_space<vmem>>
      %dma_start3A_400 = tpu.memref_squeeze %dma_start3A_399 : memref<1x128xf32, #tpu.memory_space<vmem>> -> memref<128xf32, #tpu.memory_space<vmem>>
      %dma_start3A_401 = tpu.memref_slice %arg9[%add3A_369] : memref<409600xf32, #tpu.memory_space<hbm>> -> memref<128xf32, #tpu.memory_space<hbm>>
      %dma_start3A_402 = tpu.memref_slice %arg16[%dma_start3A_397] : memref<4x!tpu.dma_semaphore, #tpu.memory_space<semaphore_mem>> -> memref<1x!tpu.dma_semaphore, #tpu.memory_space<semaphore_mem>>
      %dma_start3A_403 = tpu.memref_squeeze %dma_start3A_402 : memref<1x!tpu.dma_semaphore, #tpu.memory_space<semaphore_mem>> -> memref<!tpu.dma_semaphore, #tpu.memory_space<semaphore_mem>>
      %dma_start3A_404 = tpu.memref_slice %arg9[%add3A_369] : memref<409600xf32, #tpu.memory_space<hbm>> -> memref<128xf32, #tpu.memory_space<hbm>>
      %dma_start3A_405 = arith.constant 0 : i32
      %dma_start3A_406 = tpu.memref_slice %arg13[%dma_start3A_396, %dma_start3A_405] : memref<4x128xf32, #tpu.memory_space<vmem>> -> memref<1x128xf32, #tpu.memory_space<vmem>>
      %dma_start3A_407 = tpu.memref_squeeze %dma_start3A_406 : memref<1x128xf32, #tpu.memory_space<vmem>> -> memref<128xf32, #tpu.memory_space<vmem>>
      tpu.enqueue_dma source(%dma_start3A_407 : memref<128xf32, #tpu.memory_space<vmem>>) target(%dma_start3A_404 : memref<128xf32, #tpu.memory_space<hbm>>) target_semaphore(%dma_start3A_403 : memref<!tpu.dma_semaphore, #tpu.memory_space<semaphore_mem>>)
      %dma_wait3A_408 = arith.constant 3 : i32
      %dma_wait3A_409 = arith.constant 3 : i32
      %dma_wait3A_410 = arith.constant 0 : i32
      %dma_wait3A_411 = arith.constant 0 : i32
      %dma_wait3A_412 = tpu.memref_slice %arg12[%dma_wait3A_408, %dma_wait3A_410, %dma_wait3A_411] : memref<4x128x64xf32, #tpu.memory_space<vmem>> -> memref<1x128x64xf32, #tpu.memory_space<vmem>>
      %dma_wait3A_413 = tpu.memref_squeeze %dma_wait3A_412 : memref<1x128x64xf32, #tpu.memory_space<vmem>> -> memref<128x64xf32, #tpu.memory_space<vmem>>
      %dma_wait3A_414 = tpu.memref_slice %arg11[%mul3A_220] : memref<12800xi32, #tpu.memory_space<vmem>> -> memref<128xi32, #tpu.memory_space<vmem>>
      %dma_wait3A_415 = arith.constant 0 : i32
      %dma_wait3A_416 = arith.constant 0 : i32
      %dma_wait3A_417 = tpu.memref_slice %arg3[%dma_wait3A_415, %dma_wait3A_416] : memref<100000x64xf32, #tpu.memory_space<hbm>> -> memref<100000x64xf32, #tpu.memory_space<hbm>>
      %dma_wait3A_418 = tpu.memref_slice %arg14[%dma_wait3A_409] : memref<4x!tpu.dma_semaphore, #tpu.memory_space<semaphore_mem>> -> memref<1x!tpu.dma_semaphore, #tpu.memory_space<semaphore_mem>>
      %dma_wait3A_419 = tpu.memref_squeeze %dma_wait3A_418 : memref<1x!tpu.dma_semaphore, #tpu.memory_space<semaphore_mem>> -> memref<!tpu.dma_semaphore, #tpu.memory_space<semaphore_mem>>
      tpu.wait_indirect_dma semaphore(%dma_wait3A_419 : memref<!tpu.dma_semaphore, #tpu.memory_space<semaphore_mem>>) src(%dma_wait3A_417 : memref<100000x64xf32, #tpu.memory_space<hbm>>) dst(%dma_wait3A_413 : memref<128x64xf32, #tpu.memory_space<vmem>>)
      %add3A_420 = arith.constant 3 : i32
      %add3A_421 = arith.addi %mul3A_138, %add3A_420 : i32
      %mul3A_422 = arith.constant 128 : i32
      %mul3A_423 = arith.muli %add3A_421, %mul3A_422 : i32
      %add3A_424 = arith.addi %mul3A_130, %mul3A_423 : i32
      %dma_start3A_425 = arith.constant 3 : i32
      %dma_start3A_426 = arith.constant 3 : i32
      %dma_start3A_427 = arith.constant 0 : i32
      %dma_start3A_428 = arith.constant 0 : i32
      %dma_start3A_429 = tpu.memref_slice %arg12[%dma_start3A_425, %dma_start3A_427, %dma_start3A_428] : memref<4x128x64xf32, #tpu.memory_space<vmem>> -> memref<1x128x64xf32, #tpu.memory_space<vmem>>
      %dma_start3A_430 = tpu.memref_squeeze %dma_start3A_429 : memref<1x128x64xf32, #tpu.memory_space<vmem>> -> memref<128x64xf32, #tpu.memory_space<vmem>>
      %dma_start3A_431 = arith.constant 0 : i32
      %dma_start3A_432 = tpu.memref_slice %arg8[%add3A_424, %dma_start3A_431] : memref<409600x64xf32, #tpu.memory_space<hbm>> -> memref<128x64xf32, #tpu.memory_space<hbm>>
      %dma_start3A_433 = tpu.memref_slice %arg15[%dma_start3A_426] : memref<4x!tpu.dma_semaphore, #tpu.memory_space<semaphore_mem>> -> memref<1x!tpu.dma_semaphore, #tpu.memory_space<semaphore_mem>>
      %dma_start3A_434 = tpu.memref_squeeze %dma_start3A_433 : memref<1x!tpu.dma_semaphore, #tpu.memory_space<semaphore_mem>> -> memref<!tpu.dma_semaphore, #tpu.memory_space<semaphore_mem>>
      %dma_start3A_435 = arith.constant 0 : i32
      %dma_start3A_436 = tpu.memref_slice %arg8[%add3A_424, %dma_start3A_435] : memref<409600x64xf32, #tpu.memory_space<hbm>> -> memref<128x64xf32, #tpu.memory_space<hbm>>
      %dma_start3A_437 = arith.constant 0 : i32
      %dma_start3A_438 = arith.constant 0 : i32
      %dma_start3A_439 = tpu.memref_slice %arg12[%dma_start3A_425, %dma_start3A_437, %dma_start3A_438] : memref<4x128x64xf32, #tpu.memory_space<vmem>> -> memref<1x128x64xf32, #tpu.memory_space<vmem>>
      %dma_start3A_440 = tpu.memref_squeeze %dma_start3A_439 : memref<1x128x64xf32, #tpu.memory_space<vmem>> -> memref<128x64xf32, #tpu.memory_space<vmem>>
      tpu.enqueue_dma source(%dma_start3A_440 : memref<128x64xf32, #tpu.memory_space<vmem>>) target(%dma_start3A_436 : memref<128x64xf32, #tpu.memory_space<hbm>>) target_semaphore(%dma_start3A_434 : memref<!tpu.dma_semaphore, #tpu.memory_space<semaphore_mem>>)
      %dma_wait3A_441 = arith.constant 3 : i32
      %dma_wait3A_442 = arith.constant 3 : i32
      %dma_wait3A_443 = arith.constant 0 : i32
      %dma_wait3A_444 = tpu.memref_slice %arg13[%dma_wait3A_441, %dma_wait3A_443] : memref<4x128xf32, #tpu.memory_space<vmem>> -> memref<1x128xf32, #tpu.memory_space<vmem>>
      %dma_wait3A_445 = tpu.memref_squeeze %dma_wait3A_444 : memref<1x128xf32, #tpu.memory_space<vmem>> -> memref<128xf32, #tpu.memory_space<vmem>>
      %dma_wait3A_446 = tpu.memref_slice %arg11[%mul3A_220] : memref<12800xi32, #tpu.memory_space<vmem>> -> memref<128xi32, #tpu.memory_space<vmem>>
      %dma_wait3A_447 = arith.constant 0 : i32
      %dma_wait3A_448 = tpu.memref_slice %arg4[%dma_wait3A_447] : memref<100000xf32, #tpu.memory_space<hbm>> -> memref<100000xf32, #tpu.memory_space<hbm>>
      %dma_wait3A_449 = tpu.memref_slice %arg16[%dma_wait3A_442] : memref<4x!tpu.dma_semaphore, #tpu.memory_space<semaphore_mem>> -> memref<1x!tpu.dma_semaphore, #tpu.memory_space<semaphore_mem>>
      %dma_wait3A_450 = tpu.memref_squeeze %dma_wait3A_449 : memref<1x!tpu.dma_semaphore, #tpu.memory_space<semaphore_mem>> -> memref<!tpu.dma_semaphore, #tpu.memory_space<semaphore_mem>>
      tpu.wait_indirect_dma semaphore(%dma_wait3A_450 : memref<!tpu.dma_semaphore, #tpu.memory_space<semaphore_mem>>) src(%dma_wait3A_448 : memref<100000xf32, #tpu.memory_space<hbm>>) dst(%dma_wait3A_445 : memref<128xf32, #tpu.memory_space<vmem>>)
      %dma_start3A_451 = arith.constant 3 : i32
      %dma_start3A_452 = arith.constant 3 : i32
      %dma_start3A_453 = arith.constant 0 : i32
      %dma_start3A_454 = tpu.memref_slice %arg13[%dma_start3A_451, %dma_start3A_453] : memref<4x128xf32, #tpu.memory_space<vmem>> -> memref<1x128xf32, #tpu.memory_space<vmem>>
      %dma_start3A_455 = tpu.memref_squeeze %dma_start3A_454 : memref<1x128xf32, #tpu.memory_space<vmem>> -> memref<128xf32, #tpu.memory_space<vmem>>
      %dma_start3A_456 = tpu.memref_slice %arg9[%add3A_424] : memref<409600xf32, #tpu.memory_space<hbm>> -> memref<128xf32, #tpu.memory_space<hbm>>
      %dma_start3A_457 = tpu.memref_slice %arg16[%dma_start3A_452] : memref<4x!tpu.dma_semaphore, #tpu.memory_space<semaphore_mem>> -> memref<1x!tpu.dma_semaphore, #tpu.memory_space<semaphore_mem>>
      %dma_start3A_458 = tpu.memref_squeeze %dma_start3A_457 : memref<1x!tpu.dma_semaphore, #tpu.memory_space<semaphore_mem>> -> memref<!tpu.dma_semaphore, #tpu.memory_space<semaphore_mem>>
      %dma_start3A_459 = tpu.memref_slice %arg9[%add3A_424] : memref<409600xf32, #tpu.memory_space<hbm>> -> memref<128xf32, #tpu.memory_space<hbm>>
      %dma_start3A_460 = arith.constant 0 : i32
      %dma_start3A_461 = tpu.memref_slice %arg13[%dma_start3A_451, %dma_start3A_460] : memref<4x128xf32, #tpu.memory_space<vmem>> -> memref<1x128xf32, #tpu.memory_space<vmem>>
      %dma_start3A_462 = tpu.memref_squeeze %dma_start3A_461 : memref<1x128xf32, #tpu.memory_space<vmem>> -> memref<128xf32, #tpu.memory_space<vmem>>
      tpu.enqueue_dma source(%dma_start3A_462 : memref<128xf32, #tpu.memory_space<vmem>>) target(%dma_start3A_459 : memref<128xf32, #tpu.memory_space<hbm>>) target_semaphore(%dma_start3A_458 : memref<!tpu.dma_semaphore, #tpu.memory_space<semaphore_mem>>)
      %dma_wait3A_463 = arith.constant 0 : i32
      %dma_wait3A_464 = arith.constant 0 : i32
      %dma_wait3A_465 = arith.constant 0 : i32
      %dma_wait3A_466 = arith.constant 0 : i32
      %dma_wait3A_467 = tpu.memref_slice %arg12[%dma_wait3A_463, %dma_wait3A_465, %dma_wait3A_466] : memref<4x128x64xf32, #tpu.memory_space<vmem>> -> memref<1x128x64xf32, #tpu.memory_space<vmem>>
      %dma_wait3A_468 = tpu.memref_squeeze %dma_wait3A_467 : memref<1x128x64xf32, #tpu.memory_space<vmem>> -> memref<128x64xf32, #tpu.memory_space<vmem>>
      %dma_wait3A_469 = arith.constant 0 : i32
      %dma_wait3A_470 = tpu.memref_slice %arg8[%add3A_259, %dma_wait3A_469] : memref<409600x64xf32, #tpu.memory_space<hbm>> -> memref<128x64xf32, #tpu.memory_space<hbm>>
      %dma_wait3A_471 = tpu.memref_slice %arg15[%dma_wait3A_464] : memref<4x!tpu.dma_semaphore, #tpu.memory_space<semaphore_mem>> -> memref<1x!tpu.dma_semaphore, #tpu.memory_space<semaphore_mem>>
      %dma_wait3A_472 = tpu.memref_squeeze %dma_wait3A_471 : memref<1x!tpu.dma_semaphore, #tpu.memory_space<semaphore_mem>> -> memref<!tpu.dma_semaphore, #tpu.memory_space<semaphore_mem>>
      %dma_wait3A_473 = arith.constant 0 : i32
      %dma_wait3A_474 = tpu.memref_slice %arg8[%add3A_259, %dma_wait3A_473] : memref<409600x64xf32, #tpu.memory_space<hbm>> -> memref<128x64xf32, #tpu.memory_space<hbm>>
      %dma_wait3A_475 = arith.constant 0 : i32
      %dma_wait3A_476 = arith.constant 0 : i32
      %dma_wait3A_477 = tpu.memref_slice %arg12[%dma_wait3A_463, %dma_wait3A_475, %dma_wait3A_476] : memref<4x128x64xf32, #tpu.memory_space<vmem>> -> memref<1x128x64xf32, #tpu.memory_space<vmem>>
      %dma_wait3A_478 = tpu.memref_squeeze %dma_wait3A_477 : memref<1x128x64xf32, #tpu.memory_space<vmem>> -> memref<128x64xf32, #tpu.memory_space<vmem>>
      tpu.wait_dma2 semaphore(%dma_wait3A_472 : memref<!tpu.dma_semaphore, #tpu.memory_space<semaphore_mem>>) src(%dma_wait3A_478 : memref<128x64xf32, #tpu.memory_space<vmem>>) dst(%dma_wait3A_474 : memref<128x64xf32, #tpu.memory_space<hbm>>)
      %dma_wait3A_479 = arith.constant 0 : i32
      %dma_wait3A_480 = arith.constant 0 : i32
      %dma_wait3A_481 = arith.constant 0 : i32
      %dma_wait3A_482 = tpu.memref_slice %arg13[%dma_wait3A_479, %dma_wait3A_481] : memref<4x128xf32, #tpu.memory_space<vmem>> -> memref<1x128xf32, #tpu.memory_space<vmem>>
      %dma_wait3A_483 = tpu.memref_squeeze %dma_wait3A_482 : memref<1x128xf32, #tpu.memory_space<vmem>> -> memref<128xf32, #tpu.memory_space<vmem>>
      %dma_wait3A_484 = tpu.memref_slice %arg9[%add3A_259] : memref<409600xf32, #tpu.memory_space<hbm>> -> memref<128xf32, #tpu.memory_space<hbm>>
      %dma_wait3A_485 = tpu.memref_slice %arg16[%dma_wait3A_480] : memref<4x!tpu.dma_semaphore, #tpu.memory_space<semaphore_mem>> -> memref<1x!tpu.dma_semaphore, #tpu.memory_space<semaphore_mem>>
      %dma_wait3A_486 = tpu.memref_squeeze %dma_wait3A_485 : memref<1x!tpu.dma_semaphore, #tpu.memory_space<semaphore_mem>> -> memref<!tpu.dma_semaphore, #tpu.memory_space<semaphore_mem>>
      %dma_wait3A_487 = tpu.memref_slice %arg9[%add3A_259] : memref<409600xf32, #tpu.memory_space<hbm>> -> memref<128xf32, #tpu.memory_space<hbm>>
      %dma_wait3A_488 = arith.constant 0 : i32
      %dma_wait3A_489 = tpu.memref_slice %arg13[%dma_wait3A_479, %dma_wait3A_488] : memref<4x128xf32, #tpu.memory_space<vmem>> -> memref<1x128xf32, #tpu.memory_space<vmem>>
      %dma_wait3A_490 = tpu.memref_squeeze %dma_wait3A_489 : memref<1x128xf32, #tpu.memory_space<vmem>> -> memref<128xf32, #tpu.memory_space<vmem>>
      tpu.wait_dma2 semaphore(%dma_wait3A_486 : memref<!tpu.dma_semaphore, #tpu.memory_space<semaphore_mem>>) src(%dma_wait3A_490 : memref<128xf32, #tpu.memory_space<vmem>>) dst(%dma_wait3A_487 : memref<128xf32, #tpu.memory_space<hbm>>)
      %dma_wait3A_491 = arith.constant 1 : i32
      %dma_wait3A_492 = arith.constant 1 : i32
      %dma_wait3A_493 = arith.constant 0 : i32
      %dma_wait3A_494 = arith.constant 0 : i32
      %dma_wait3A_495 = tpu.memref_slice %arg12[%dma_wait3A_491, %dma_wait3A_493, %dma_wait3A_494] : memref<4x128x64xf32, #tpu.memory_space<vmem>> -> memref<1x128x64xf32, #tpu.memory_space<vmem>>
      %dma_wait3A_496 = tpu.memref_squeeze %dma_wait3A_495 : memref<1x128x64xf32, #tpu.memory_space<vmem>> -> memref<128x64xf32, #tpu.memory_space<vmem>>
      %dma_wait3A_497 = arith.constant 0 : i32
      %dma_wait3A_498 = tpu.memref_slice %arg8[%add3A_314, %dma_wait3A_497] : memref<409600x64xf32, #tpu.memory_space<hbm>> -> memref<128x64xf32, #tpu.memory_space<hbm>>
      %dma_wait3A_499 = tpu.memref_slice %arg15[%dma_wait3A_492] : memref<4x!tpu.dma_semaphore, #tpu.memory_space<semaphore_mem>> -> memref<1x!tpu.dma_semaphore, #tpu.memory_space<semaphore_mem>>
      %dma_wait3A_500 = tpu.memref_squeeze %dma_wait3A_499 : memref<1x!tpu.dma_semaphore, #tpu.memory_space<semaphore_mem>> -> memref<!tpu.dma_semaphore, #tpu.memory_space<semaphore_mem>>
      %dma_wait3A_501 = arith.constant 0 : i32
      %dma_wait3A_502 = tpu.memref_slice %arg8[%add3A_314, %dma_wait3A_501] : memref<409600x64xf32, #tpu.memory_space<hbm>> -> memref<128x64xf32, #tpu.memory_space<hbm>>
      %dma_wait3A_503 = arith.constant 0 : i32
      %dma_wait3A_504 = arith.constant 0 : i32
      %dma_wait3A_505 = tpu.memref_slice %arg12[%dma_wait3A_491, %dma_wait3A_503, %dma_wait3A_504] : memref<4x128x64xf32, #tpu.memory_space<vmem>> -> memref<1x128x64xf32, #tpu.memory_space<vmem>>
      %dma_wait3A_506 = tpu.memref_squeeze %dma_wait3A_505 : memref<1x128x64xf32, #tpu.memory_space<vmem>> -> memref<128x64xf32, #tpu.memory_space<vmem>>
      tpu.wait_dma2 semaphore(%dma_wait3A_500 : memref<!tpu.dma_semaphore, #tpu.memory_space<semaphore_mem>>) src(%dma_wait3A_506 : memref<128x64xf32, #tpu.memory_space<vmem>>) dst(%dma_wait3A_502 : memref<128x64xf32, #tpu.memory_space<hbm>>)
      %dma_wait3A_507 = arith.constant 1 : i32
      %dma_wait3A_508 = arith.constant 1 : i32
      %dma_wait3A_509 = arith.constant 0 : i32
      %dma_wait3A_510 = tpu.memref_slice %arg13[%dma_wait3A_507, %dma_wait3A_509] : memref<4x128xf32, #tpu.memory_space<vmem>> -> memref<1x128xf32, #tpu.memory_space<vmem>>
      %dma_wait3A_511 = tpu.memref_squeeze %dma_wait3A_510 : memref<1x128xf32, #tpu.memory_space<vmem>> -> memref<128xf32, #tpu.memory_space<vmem>>
      %dma_wait3A_512 = tpu.memref_slice %arg9[%add3A_314] : memref<409600xf32, #tpu.memory_space<hbm>> -> memref<128xf32, #tpu.memory_space<hbm>>
      %dma_wait3A_513 = tpu.memref_slice %arg16[%dma_wait3A_508] : memref<4x!tpu.dma_semaphore, #tpu.memory_space<semaphore_mem>> -> memref<1x!tpu.dma_semaphore, #tpu.memory_space<semaphore_mem>>
      %dma_wait3A_514 = tpu.memref_squeeze %dma_wait3A_513 : memref<1x!tpu.dma_semaphore, #tpu.memory_space<semaphore_mem>> -> memref<!tpu.dma_semaphore, #tpu.memory_space<semaphore_mem>>
      %dma_wait3A_515 = tpu.memref_slice %arg9[%add3A_314] : memref<409600xf32, #tpu.memory_space<hbm>> -> memref<128xf32, #tpu.memory_space<hbm>>
      %dma_wait3A_516 = arith.constant 0 : i32
      %dma_wait3A_517 = tpu.memref_slice %arg13[%dma_wait3A_507, %dma_wait3A_516] : memref<4x128xf32, #tpu.memory_space<vmem>> -> memref<1x128xf32, #tpu.memory_space<vmem>>
      %dma_wait3A_518 = tpu.memref_squeeze %dma_wait3A_517 : memref<1x128xf32, #tpu.memory_space<vmem>> -> memref<128xf32, #tpu.memory_space<vmem>>
      tpu.wait_dma2 semaphore(%dma_wait3A_514 : memref<!tpu.dma_semaphore, #tpu.memory_space<semaphore_mem>>) src(%dma_wait3A_518 : memref<128xf32, #tpu.memory_space<vmem>>) dst(%dma_wait3A_515 : memref<128xf32, #tpu.memory_space<hbm>>)
      %dma_wait3A_519 = arith.constant 2 : i32
      %dma_wait3A_520 = arith.constant 2 : i32
      %dma_wait3A_521 = arith.constant 0 : i32
      %dma_wait3A_522 = arith.constant 0 : i32
      %dma_wait3A_523 = tpu.memref_slice %arg12[%dma_wait3A_519, %dma_wait3A_521, %dma_wait3A_522] : memref<4x128x64xf32, #tpu.memory_space<vmem>> -> memref<1x128x64xf32, #tpu.memory_space<vmem>>
      %dma_wait3A_524 = tpu.memref_squeeze %dma_wait3A_523 : memref<1x128x64xf32, #tpu.memory_space<vmem>> -> memref<128x64xf32, #tpu.memory_space<vmem>>
      %dma_wait3A_525 = arith.constant 0 : i32
      %dma_wait3A_526 = tpu.memref_slice %arg8[%add3A_369, %dma_wait3A_525] : memref<409600x64xf32, #tpu.memory_space<hbm>> -> memref<128x64xf32, #tpu.memory_space<hbm>>
      %dma_wait3A_527 = tpu.memref_slice %arg15[%dma_wait3A_520] : memref<4x!tpu.dma_semaphore, #tpu.memory_space<semaphore_mem>> -> memref<1x!tpu.dma_semaphore, #tpu.memory_space<semaphore_mem>>
      %dma_wait3A_528 = tpu.memref_squeeze %dma_wait3A_527 : memref<1x!tpu.dma_semaphore, #tpu.memory_space<semaphore_mem>> -> memref<!tpu.dma_semaphore, #tpu.memory_space<semaphore_mem>>
      %dma_wait3A_529 = arith.constant 0 : i32
      %dma_wait3A_530 = tpu.memref_slice %arg8[%add3A_369, %dma_wait3A_529] : memref<409600x64xf32, #tpu.memory_space<hbm>> -> memref<128x64xf32, #tpu.memory_space<hbm>>
      %dma_wait3A_531 = arith.constant 0 : i32
      %dma_wait3A_532 = arith.constant 0 : i32
      %dma_wait3A_533 = tpu.memref_slice %arg12[%dma_wait3A_519, %dma_wait3A_531, %dma_wait3A_532] : memref<4x128x64xf32, #tpu.memory_space<vmem>> -> memref<1x128x64xf32, #tpu.memory_space<vmem>>
      %dma_wait3A_534 = tpu.memref_squeeze %dma_wait3A_533 : memref<1x128x64xf32, #tpu.memory_space<vmem>> -> memref<128x64xf32, #tpu.memory_space<vmem>>
      tpu.wait_dma2 semaphore(%dma_wait3A_528 : memref<!tpu.dma_semaphore, #tpu.memory_space<semaphore_mem>>) src(%dma_wait3A_534 : memref<128x64xf32, #tpu.memory_space<vmem>>) dst(%dma_wait3A_530 : memref<128x64xf32, #tpu.memory_space<hbm>>)
      %dma_wait3A_535 = arith.constant 2 : i32
      %dma_wait3A_536 = arith.constant 2 : i32
      %dma_wait3A_537 = arith.constant 0 : i32
      %dma_wait3A_538 = tpu.memref_slice %arg13[%dma_wait3A_535, %dma_wait3A_537] : memref<4x128xf32, #tpu.memory_space<vmem>> -> memref<1x128xf32, #tpu.memory_space<vmem>>
      %dma_wait3A_539 = tpu.memref_squeeze %dma_wait3A_538 : memref<1x128xf32, #tpu.memory_space<vmem>> -> memref<128xf32, #tpu.memory_space<vmem>>
      %dma_wait3A_540 = tpu.memref_slice %arg9[%add3A_369] : memref<409600xf32, #tpu.memory_space<hbm>> -> memref<128xf32, #tpu.memory_space<hbm>>
      %dma_wait3A_541 = tpu.memref_slice %arg16[%dma_wait3A_536] : memref<4x!tpu.dma_semaphore, #tpu.memory_space<semaphore_mem>> -> memref<1x!tpu.dma_semaphore, #tpu.memory_space<semaphore_mem>>
      %dma_wait3A_542 = tpu.memref_squeeze %dma_wait3A_541 : memref<1x!tpu.dma_semaphore, #tpu.memory_space<semaphore_mem>> -> memref<!tpu.dma_semaphore, #tpu.memory_space<semaphore_mem>>
      %dma_wait3A_543 = tpu.memref_slice %arg9[%add3A_369] : memref<409600xf32, #tpu.memory_space<hbm>> -> memref<128xf32, #tpu.memory_space<hbm>>
      %dma_wait3A_544 = arith.constant 0 : i32
      %dma_wait3A_545 = tpu.memref_slice %arg13[%dma_wait3A_535, %dma_wait3A_544] : memref<4x128xf32, #tpu.memory_space<vmem>> -> memref<1x128xf32, #tpu.memory_space<vmem>>
      %dma_wait3A_546 = tpu.memref_squeeze %dma_wait3A_545 : memref<1x128xf32, #tpu.memory_space<vmem>> -> memref<128xf32, #tpu.memory_space<vmem>>
      tpu.wait_dma2 semaphore(%dma_wait3A_542 : memref<!tpu.dma_semaphore, #tpu.memory_space<semaphore_mem>>) src(%dma_wait3A_546 : memref<128xf32, #tpu.memory_space<vmem>>) dst(%dma_wait3A_543 : memref<128xf32, #tpu.memory_space<hbm>>)
      %dma_wait3A_547 = arith.constant 3 : i32
      %dma_wait3A_548 = arith.constant 3 : i32
      %dma_wait3A_549 = arith.constant 0 : i32
      %dma_wait3A_550 = arith.constant 0 : i32
      %dma_wait3A_551 = tpu.memref_slice %arg12[%dma_wait3A_547, %dma_wait3A_549, %dma_wait3A_550] : memref<4x128x64xf32, #tpu.memory_space<vmem>> -> memref<1x128x64xf32, #tpu.memory_space<vmem>>
      %dma_wait3A_552 = tpu.memref_squeeze %dma_wait3A_551 : memref<1x128x64xf32, #tpu.memory_space<vmem>> -> memref<128x64xf32, #tpu.memory_space<vmem>>
      %dma_wait3A_553 = arith.constant 0 : i32
      %dma_wait3A_554 = tpu.memref_slice %arg8[%add3A_424, %dma_wait3A_553] : memref<409600x64xf32, #tpu.memory_space<hbm>> -> memref<128x64xf32, #tpu.memory_space<hbm>>
      %dma_wait3A_555 = tpu.memref_slice %arg15[%dma_wait3A_548] : memref<4x!tpu.dma_semaphore, #tpu.memory_space<semaphore_mem>> -> memref<1x!tpu.dma_semaphore, #tpu.memory_space<semaphore_mem>>
      %dma_wait3A_556 = tpu.memref_squeeze %dma_wait3A_555 : memref<1x!tpu.dma_semaphore, #tpu.memory_space<semaphore_mem>> -> memref<!tpu.dma_semaphore, #tpu.memory_space<semaphore_mem>>
      %dma_wait3A_557 = arith.constant 0 : i32
      %dma_wait3A_558 = tpu.memref_slice %arg8[%add3A_424, %dma_wait3A_557] : memref<409600x64xf32, #tpu.memory_space<hbm>> -> memref<128x64xf32, #tpu.memory_space<hbm>>
      %dma_wait3A_559 = arith.constant 0 : i32
      %dma_wait3A_560 = arith.constant 0 : i32
      %dma_wait3A_561 = tpu.memref_slice %arg12[%dma_wait3A_547, %dma_wait3A_559, %dma_wait3A_560] : memref<4x128x64xf32, #tpu.memory_space<vmem>> -> memref<1x128x64xf32, #tpu.memory_space<vmem>>
      %dma_wait3A_562 = tpu.memref_squeeze %dma_wait3A_561 : memref<1x128x64xf32, #tpu.memory_space<vmem>> -> memref<128x64xf32, #tpu.memory_space<vmem>>
      tpu.wait_dma2 semaphore(%dma_wait3A_556 : memref<!tpu.dma_semaphore, #tpu.memory_space<semaphore_mem>>) src(%dma_wait3A_562 : memref<128x64xf32, #tpu.memory_space<vmem>>) dst(%dma_wait3A_558 : memref<128x64xf32, #tpu.memory_space<hbm>>)
      %dma_wait3A_563 = arith.constant 3 : i32
      %dma_wait3A_564 = arith.constant 3 : i32
      %dma_wait3A_565 = arith.constant 0 : i32
      %dma_wait3A_566 = tpu.memref_slice %arg13[%dma_wait3A_563, %dma_wait3A_565] : memref<4x128xf32, #tpu.memory_space<vmem>> -> memref<1x128xf32, #tpu.memory_space<vmem>>
      %dma_wait3A_567 = tpu.memref_squeeze %dma_wait3A_566 : memref<1x128xf32, #tpu.memory_space<vmem>> -> memref<128xf32, #tpu.memory_space<vmem>>
      %dma_wait3A_568 = tpu.memref_slice %arg9[%add3A_424] : memref<409600xf32, #tpu.memory_space<hbm>> -> memref<128xf32, #tpu.memory_space<hbm>>
      %dma_wait3A_569 = tpu.memref_slice %arg16[%dma_wait3A_564] : memref<4x!tpu.dma_semaphore, #tpu.memory_space<semaphore_mem>> -> memref<1x!tpu.dma_semaphore, #tpu.memory_space<semaphore_mem>>
      %dma_wait3A_570 = tpu.memref_squeeze %dma_wait3A_569 : memref<1x!tpu.dma_semaphore, #tpu.memory_space<semaphore_mem>> -> memref<!tpu.dma_semaphore, #tpu.memory_space<semaphore_mem>>
      %dma_wait3A_571 = tpu.memref_slice %arg9[%add3A_424] : memref<409600xf32, #tpu.memory_space<hbm>> -> memref<128xf32, #tpu.memory_space<hbm>>
      %dma_wait3A_572 = arith.constant 0 : i32
      %dma_wait3A_573 = tpu.memref_slice %arg13[%dma_wait3A_563, %dma_wait3A_572] : memref<4x128xf32, #tpu.memory_space<vmem>> -> memref<1x128xf32, #tpu.memory_space<vmem>>
      %dma_wait3A_574 = tpu.memref_squeeze %dma_wait3A_573 : memref<1x128xf32, #tpu.memory_space<vmem>> -> memref<128xf32, #tpu.memory_space<vmem>>
      tpu.wait_dma2 semaphore(%dma_wait3A_570 : memref<!tpu.dma_semaphore, #tpu.memory_space<semaphore_mem>>) src(%dma_wait3A_574 : memref<128xf32, #tpu.memory_space<vmem>>) dst(%dma_wait3A_571 : memref<128xf32, #tpu.memory_space<hbm>>)
    }
    %scan3A_135 = arith.constant 25 : i32
    return
  }
}

</mosaic_0001>

<sc_bundles>
// kernel: _sc_gather.3.cloned.1.call-start
scs
__scs_entry_jumppad:
0x0: {  	(pc) =	sbr.rel $0x88, $3  }
0x1: {  	(tag) =	ssettag $0x0;
	lr =	simm.s32 $0x1  }
0x2: {  	[smem:$0x3F9C] =	sst lr;
	_ =	strace $0xD0000000  }
0x3: {  	_ = 	snop  }
0x4: {  	_ = 	snop  }
0x5: {  	_ = 	snop  }
0x6: {  	_ = 	snop  }
0x7: {  	_ = 	snop  }
__scs_overlays_trampoline_lowered:
0x8: {  	[smem:$0x3FAB] =	sst s0  }
0x9: {  	[smem:$0x3FAC] =	sst s1  }
0xa: {  	[smem:$0x3FAD] =	sst s2  }
0xb: {  	[smem:$0x3FAE] =	sst s3  }
0xc: {  	[smem:$0x3FAF] =	sst s4  }
0xd: {  	[smem:$0x3FB0] =	sst s5  }
0xe: {  	[smem:$0x3FB1] =	sst s6  }
0xf: {  	[smem:$0x3FB2] =	sst s7  }
0x10: {  	[smem:$0x3FB3] =	sst s8  }
0x11: {  	[smem:$0x3FB4] =	sst s9;
	s0 =	simm.s32 @!p0 $0x0  }
0x12: {  	s1 =	sld [smem:$0x3F9A];
	s0 =	simm.s32 @p0 $0x1  }
0x13: {  	[smem:$0x3FB5] =	sst s0;
	s0 =	simm.s32 @!p1 $0x0  }
0x14: {  	s2 =	sld [smem:$0x3F99];
	s0 =	simm.s32 @p1 $0x1  }
0x15: {  	[smem:$0x3FB6] =	sst s0;
	s0 =	simm.s32 @!p2 $0x0  }
0x16: {  	s3 =	sld [smem:$0x3FDB];
	s0 =	simm.s32 @p2 $0x1  }
0x17: {  	s4 =	simm.s32 $0x1BF5;
	[smem:$0x3FB8] =	sst s0  }
0x18: {  	s0 =	sld [smem:$0x3F9B];
	_ =	swait.ge [sflag:s4], $0x0  }
0x19: {  	s7 =	sld [smem:$0x3F9C]  }
0x1a: {  	s8 =	sadd.s32 $0xFFFFE003, lr  }
0x1b: {  	s9 =	sadd.s32 $0xFFFFFEF7, lr;
	s5 =	simm.s32 $0xFFFFFFFF;
	p2 =	slt.u32 s8, $0xFFFFF086  }
0x1c: {  	p1 =	slt.u32 s9, $0xF7A;
	s5 =	simm.s32 @!p2 $0x0  }
0x1d: {  	s5 =	simm.s32 @p1 $0x1;
	p0 =	seq.s32 s7, s2  }
0x1e: {  	s7 =	smul.u32 @!p0 $0xF7A, s2;
	p2 =	seq.s32 @!p0 s5, $0x0  }
0x1f: {  	s9 =	smul.u32 $0xF7A, s1;
	s8 =	simm.s32 @!p0 $0x1BF5;
	p2 =	por !p2, p0  }
0x20: {  	[sflag:s8] =	ssyncset.s32 @!p0 $0xFFFFF086;
	s6 =	sadd.s32 @!p0 s3, s7;
	s7 =	simm.s32 @!p0 $0x108  }
0x21: {  	s3 =	sadd.s32 s3, s9;
	s6 =	sadd.s32 @!p0 $0x88, s6;
	s7 =	simm.s32 @p2 $0x1082  }
0x22: {  	[simem:s7], [sflag:s8] =	dma.local @!p0 [hbm:s6], $0xF7A  }
0x23: {  	s9 =	sor.u32 $0xD0000000, s2;
	s6 =	simm.s32 $0x108;
	_ =	swait.ge @!p0 [sflag:s8], $0x0  }
0x24: {  	s3 =	sadd.s32 $0x88, s3;
	s6 =	simm.s32 @!p1 $0x1082;
	[sflag:s4] =	ssyncset.s32 $0xFFFFF086  }
0x25: {  	[simem:s6], [sflag:s4] =	dma.local [hbm:s3], $0xF7A  }
0x26: {  	[smem:$0x3F9C] =	sst s1;
	(tag) =	ssettag s2;
	_ =	strace s9  }
0x27: {  	s1 =	sld [smem:$0x3FAC]  }
0x28: {  	s2 =	sld [smem:$0x3FAD]  }
0x29: {  	s4 =	sld [smem:$0x3FAF]  }
0x2a: {  	p0 =	seq.s32 s5, $0x0;
	s5 =	sld [smem:$0x3FB0]  }
0x2b: {  	s6 =	sld [smem:$0x3FB1]  }
0x2c: {  	s7 =	sld [smem:$0x3FB2]  }
0x2d: {  	s3 =	simm.s32 $0x108;
	s8 =	sld [smem:$0x3FB3]  }
0x2e: {  	s3 =	simm.s32 @!p0 $0x1082;
	s9 =	sld [smem:$0x3FB4]  }
0x2f: {  	lr =	sadd.s32 s0, s3;
	s0 =	sld [smem:$0x3FAB]  }
0x30: {  	s3 =	sld [smem:$0x3FAE]  }
0x31: {  	[smem:$0x3FB7] =	sst s10  }
0x32: {  	s10 =	sld [smem:$0x3FB5];
	_ =	sdelay $0x3  }
0x33: {  	p0 =	seq.s32 s10, $0x1;
	s10 =	sld [smem:$0x3FB7];
	_ =	sdelay $0x3  }
0x34: {  	[smem:$0x3FB7] =	sst s10  }
0x35: {  	s10 =	sld [smem:$0x3FB6];
	_ =	sdelay $0x3  }
0x36: {  	p1 =	seq.s32 s10, $0x1;
	s10 =	sld [smem:$0x3FB7];
	_ =	sdelay $0x3  }
0x37: {  	[smem:$0x3FB7] =	sst s10  }
0x38: {  	s10 =	sld [smem:$0x3FB8]  }
0x39: {  	_ = 	snop;
	(pc) =	sbr.ind lr, $3  }
0x3a: {  	_ = 	snop  }
0x3b: {  	_ = 	snop  }
0x3c: {  	p2 =	seq.s32 s10, $0x1;
	s10 =	sld [smem:$0x3FB7]  }
0x3d: {  	_ =	shalt  }
0x3e: {  	_ =	shalt  }
0x3f: {  	_ =	shalt  }
0x40: {  	_ =	shalt  }
0x41: {  	_ =	shalt  }
0x42: {  	_ =	shalt  }
0x43: {  	_ =	shalt  }
0x44: {  	_ =	shalt  }
0x45: {  	_ =	shalt  }
0x46: {  	_ =	shalt  }
0x47: {  	_ =	shalt  }
0x48: {  	_ =	shalt  }
0x49: {  	_ =	shalt  }
0x4a: {  	_ =	shalt  }
0x4b: {  	_ =	shalt  }
0x4c: {  	_ =	shalt  }
0x4d: {  	_ =	shalt  }
0x4e: {  	_ =	shalt  }
0x4f: {  	_ =	shalt  }
0x50: {  	_ =	shalt  }
0x51: {  	_ =	shalt  }
0x52: {  	_ =	shalt  }
0x53: {  	_ =	shalt  }
0x54: {  	_ =	shalt  }
0x55: {  	_ =	shalt  }
0x56: {  	_ =	shalt  }
0x57: {  	_ =	shalt  }
0x58: {  	_ =	shalt  }
0x59: {  	_ =	shalt  }
0x5a: {  	_ =	shalt  }
0x5b: {  	_ =	shalt  }
0x5c: {  	_ =	shalt  }
0x5d: {  	_ =	shalt  }
0x5e: {  	_ =	shalt  }
0x5f: {  	_ =	shalt  }
0x60: {  	_ =	shalt  }
0x61: {  	_ =	shalt  }
0x62: {  	_ =	shalt  }
0x63: {  	_ =	shalt  }
0x64: {  	_ =	shalt  }
0x65: {  	_ =	shalt  }
0x66: {  	_ =	shalt  }
0x67: {  	_ =	shalt  }
0x68: {  	_ =	shalt  }
0x69: {  	_ =	shalt  }
0x6a: {  	_ =	shalt  }
0x6b: {  	_ =	shalt  }
0x6c: {  	_ =	shalt  }
0x6d: {  	_ =	shalt  }
0x6e: {  	_ =	shalt  }
0x6f: {  	_ =	shalt  }
0x70: {  	_ =	shalt  }
0x71: {  	_ =	shalt  }
0x72: {  	_ =	shalt  }
0x73: {  	_ =	shalt  }
0x74: {  	_ =	shalt  }
0x75: {  	_ =	shalt  }
0x76: {  	_ =	shalt  }
0x77: {  	_ =	shalt  }
0x78: {  	_ =	shalt  }
0x79: {  	_ =	shalt  }
0x7a: {  	_ =	shalt  }
0x7b: {  	_ =	shalt  }
0x7c: {  	_ =	shalt  }
0x7d: {  	_ =	shalt  }
0x7e: {  	_ =	shalt  }
0x7f: {  	_ =	shalt  }
0x80: {  	_ =	shalt  }
0x81: {  	_ =	shalt  }
0x82: {  	_ =	shalt  }
0x83: {  	_ =	shalt  }
0x84: {  	_ =	shalt  }
0x85: {  	_ =	shalt  }
0x86: {  	_ =	shalt  }
0x87: {  	_ =	shalt  }
.Lfunc_end0:
.L_simem_size_0:
called_computation.1_lowered:
.L_overlay_start_0:
0x88: {  	s2 =	sld [smem:$0x3FD9]  }
0x89: {  	s3 =	sld [smem:$0x3FFE];
	_ =	sdelay $0x1  }
0x8a: {  	s1 =	srdreg.scid  }
0x8b: {  	s0 =	sand.u32 $0x1, s1  }
0x8c: {  	s14 =	sshll.u32 s0, $0xA;
	s2 =	sadd.s32 s3, s2  }
0x8d: {  	s2 =	sadd.s32 s2, s14  }
0x8e: {  	[smem:$0x3FC3] =	sst s2  }
0x8f: {  	_ = 	snop  }
0x90: {  	s2 =	sld [smem:$0x3FD0];
	_ =	sdelay $0x1  }
0x91: {  	s15 =	sld [smem:$0x3FC6]  }
0x92: {  	s5 =	simm.s32 $0xA;
	s6 =	simm.s32 $0x10;
	s4 =	sld [smem:$0x3FC5]  }
0x93: {  	[smem:s6], [sflag:s5] =	dma.local [hbm:s2], $0x1  }
0x94: {  	_ =	swait.eq [sflag:s5], $0x1  }
0x95: {  	s16 =	sld [smem:$0x10];
	[sflag:s5] =	ssyncset.done $0x0  }
0x96: {  	s17 =	sld [smem:$0x11];
	[sflag:s5] =	ssyncadd.s32 $0xFFFFFFFF  }
0x97: {  	s18 =	sld [smem:$0x12];
	(tm) =	ssettm $0x1  }
0x98: {  	s7 =	sld [smem:$0x3FFB];
	_ =	sdelay $0x3  }
0x99: {  	_ =	strace s7  }
0x9a: {  	s7 =	sld [smem:$0x3FFC];
	_ =	sdelay $0x3  }
0x9b: {  	_ =	strace s7  }
0x9c: {  	s7 =	sld [smem:$0x3FFD];
	_ =	sdelay $0x3  }
0x9d: {  	_ =	strace s7  }
0x9e: {  	_ =	strace $0x8FFFFFFF  }
0x9f: {  	s19 =	sld [smem:$0x3FDB];
	_ =	sdelay $0x1  }
0xa0: {  	s8 =	simm.s32 $_scs_section_size  }
0xa1: {  	s9 =	simm.s32 $_size__tile_overlayer_lowered;
	s10 =	simm.s32 $_tile_overlayer_lowered  }
0xa2: {  	s22 =	simm.s32 $0x1BFF;
	s21 =	sshll.u32 s10, $0x1;
	s7 =	sadd.s32 s8, s19  }
0xa3: {  	s11 =	simm.s32 $0x0;
	s20 =	sshll.u32 s9, $0x1;
	s9 =	sadd.s32 s21, s7  }
0xa4: {  	[timem:s11], [sflag:s22] =	dma.local [hbm:s9], s20  }
0xa5: {  	_ =	swait.ge [sflag:s22], s20  }
0xa6: {  	s8 =	ssub.s32 $0x0, s20;
	[sflag:s22] =	ssyncset.done $0x0  }
0xa7: {  	[sflag:s22] =	ssyncadd.s32 s8;
	_ =	sdelay $0x1  }
0xa8: {  	s23 =	simm.s32 $0x1B8B  }
0xa9: {  	_ =	swait.ge [sflag:s23], $0x1  }
0xaa: {  	[sflag:s23] =	ssyncset.done $0x0  }
0xab: {  	s25 =	simm.s32 $0x1B8E;
	s24 =	sld [smem:$0x3FFE];
	[sflag:s23] =	ssyncadd.s32 $0xFFFFFFFF  }
0xac: {  	s26 =	simm.s32 $execute0_lowered;
	[smem:$0x3FD2] =	sst s25  }
0xad: {  	s9 =	sshll.u32 s26, $0x1;
	_ =	strace $0x80000046;
	[dreg:$0x1] =	wrdreg $0xFFFFFFFF  }
0xae: {  	s28 =	simm.s32 $_size_execute0_lowered;
	s7 =	sadd.s32 s7, s9;
	[dreg:$0x0] =	wrdreg $0x0  }
0xaf: {  	s9 =	sshll.u32 s28, $0x1;
	[dreg:$0x2] =	wrdreg s7  }
0xb0: {  	[dreg:$0x3] =	wrdreg s9  }
0xb1: {  	[dreg:$0x4] =	wrdreg $0xC0  }
0xb2: {  	_ =	task [dreg:s11], $0x5FFFF  }
0xb3: {  	[dreg:$0x1] =	wrdreg $0xFFFFFFFF  }
0xb4: {  	[dreg:$0x0] =	wrdreg $0x60  }
0xb5: {  	[dreg:$0x2] =	wrdreg s24  }
0xb6: {  	[dreg:$0x3] =	wrdreg s15  }
0xb7: {  	[dreg:$0x4] =	wrdreg s4  }
0xb8: {  	[dreg:$0x5] =	wrdreg s16  }
0xb9: {  	[dreg:$0x6] =	wrdreg s17  }
0xba: {  	[dreg:$0x7] =	wrdreg s18  }
0xbb: {  	[dreg:$0x8] =	wrdreg $0x9  }
0xbc: {  	_ =	task.clear_ibuf [dreg:s11], $0x9FFFF;
	_ =	strace $0x90000046  }
0xbd: {  	s29 =	simm.s32 $0x9;
	_ =	strace $0x80000048  }
0xbe: {  	_ =	swait.ge [sflag:s29], $0x1  }
0xbf: {  	[sflag:s29] =	ssyncadd.s32 $0xFFFFFFFF  }
0xc0: {  	_ =	strace $0x90000048  }
0xc1: {  	_ =	sfence  }
0xc2: {  	s30 =	sld [smem:$0x0];
	_ =	sdelay $0x2  }
0xc3: {  	s31 =	sshll.u32 s1, $0xD;
	s1 =	sshrl.u32 s1, $0x2  }
0xc4: {  	s3 =	sand.u32 $0x4000, s31;
	s1 =	sadd.s32 s1, s30  }
0xc5: {  	s0 =	sor.u32 s3, s0;
	s1 =	sshll.u32 s1, $0x11  }
0xc6: {  	s0 =	sor.u32 s1, s0  }
0xc7: {  	s0 =	sadd.s32 $0x8F2B, s0  }
0xc8: {  	[sflag:s0] =	ssyncadd.remote.s32 $0x1  }
0xc9: {  	_ =	sfence.sel $0xFFFF  }
0xca: {  	[dreg:$0x0] =	wrdreg $0xFFFFFFFF;
	(pc) =	sbr.abs _section_cstart, $3  }
0xcb: {  	[dreg:$0x1] =	wrdreg $0xFFFFFFFF  }
0xcc: {  	_ =	task.clear_ibuf [dreg:s11], $0x2FFFF;
	_ =	strace $0x9FFFFFFF  }
0xcd: {  	(tm) =	ssettm $0x7FFFFFFF  }
tec
execute0_lowered:
.L_overlay_start_1:
0x0: {  	(tag) =	ssettag $0x1  }
0x1: {  	s1 =	rddreg [dreg:$0x0]  }
0x2: {  	s2 =	rddreg [dreg:$0x1]  }
0x3: {  	s7 =	rddreg [dreg:$0x2]  }
0x4: {  	s8 =	rddreg [dreg:$0x3]  }
0x5: {  	s0 =	rddreg [dreg:$0x4]  }
0x6: {  	s4 =	srdreg.scid;
	s15 =	stileid.u32  }
0x7: {  	s3 =	simm.s32 $0x0;
	s29 =	simm.s32 $0x2;
	s17 =	smul.u32 $0x1A00, s15  }
0x8: {  	s30 =	simm.s32 $0x3;
	s31 =	simm.s32 $0x4;
	s22 =	smul.u32 $0x6400, s15  }
0x9: {  	s9 =	sand.u32 $0x1, s4;
	s14 =	sshll.u32 s15, $0x1;
	s26 =	smul.u32 $0xD000, s15  }
0xa: {  	s28 =	simm.s32 $0xBF80;
	s10 =	sor.u32 s9, s14;
	s14 =	smul.u32 $0xD00, s9  }
0xb: {  	[smem:$0x7FF] =	sst s3;
	s4 =	sadd.s32 $0x2800, s1;
	s24 =	smul.u32 $0x3200, s9  }
0xc: {  	s5 =	sadd.s32 $0xC5E00, s1;
	s12 =	ssub.s32 $0x2, s9;
	s11 =	smul.u32 $0xD00, s10  }
0xd: {  	s6 =	sadd.s32 $0x189400, s1;
	s13 =	smul.u32 $0x3200, s10;
	s16 =	sshrl.u32 s12, $0x1  }
0xe: {  	_ =	strace $0x80000047;
	s10 =	smul.u32 $0x34000, s10;
	s1 =	ssub.s32 s12, s16  }
0xf: {  	s21 =	sadd.s32 s14, s17;
	s11 =	sshrl.u32 s11, $0x3;
	s13 =	sshrl.u32 s13, $0x3  }
0x10: {  	s10 =	sshrl.u32 s10, $0x3;
	s23 =	sshll.u32 s21, $0x3;
	s1 =	smax.u32 s1, $0x1  }
0x11: {  	s2 =	sadd.s32 s2, s11;
	s18 =	sadd.s32 s7, s13;
	s19 =	sadd.s32 s8, s10  }
0x12: {  	[dreg:$0xf] =	wrdreg s1;
	s25 =	sadd.s32 s8, s23;
	s13 =	smul.u32 $0x6800, s9  }
0x13: {  	s7 =	sadd.s32 s24, s22;
	s22 =	smul.u32 $0x32000, s15;
	[dreg:$0xb] =	wrdreg s2  }
0x14: {  	s24 =	smul.u32 $0x19000, s9;
	[dreg:$0xc] =	wrdreg s18;
	s20 =	sadd.s32 $0x6000, s19  }
0x15: {  	s15 =	simm.s32 $0xC;
	s2 =	sadd.s32 $0x6400, s19;
	[dreg:$0xd] =	wrdreg s20  }
0x16: {  	s12 =	sadd.s32 $0x800, s25;
	s14 =	sadd.s32 $0x400, s25;
	[dreg:$0xe] =	wrdreg s2  }
0x17: {  	s16 =	sor.u32 $0x100, s7;
	s1 =	sadd.s32 $0xC00, s25;
	[dreg:$0x10] =	wrdreg s12  }
0x18: {  	s19 =	sor.u32 $0x80, s7;
	s23 =	sshrl.u32 s7, $0x3;
	[dreg:$0x11] =	wrdreg s14  }
0x19: {  	s7 =	sor.u32 $0x180, s7;
	s2 =	sadd.s32 s26, s8;
	[dreg:$0x13] =	wrdreg s1  }
0x1a: {  	s17 =	sshrl.u32 s16, $0x3;
	s18 =	sshll.u32 s16, $0x3;
	s20 =	sshrl.u32 s19, $0x3  }
0x1b: {  	[dreg:$0x9] =	wrdreg s23;
	s25 =	sshrl.u32 s7, $0x3;
	s26 =	sshll.u32 s7, $0x3  }
0x1c: {  	s23 =	simm.s32 $0x5F00;
	s7 =	simm.s32 $0x8;
	[dreg:$0x7] =	wrdreg s17  }
0x1d: {  	s12 =	simm.s32 $0x9;
	s14 =	simm.s32 $0xB;
	[dreg:$0x8] =	wrdreg s20  }
0x1e: {  	s8 =	simm.s32 $0x0;
	s2 =	sadd.s32 s13, s2;
	[dreg:$0xa] =	wrdreg s25  }
0x1f: {  	s1 =	sadd.s32 s18, s0;
	[dreg:$0x12] =	wrdreg s2;
	s2 =	sshll.u32 s19, $0x3  }
0x20: {  	[dreg:$0x14] =	wrdreg s1;
	s1 =	sadd.s32 s22, s0;
	s21 =	sadd.s32 s2, s0  }
0x21: {  	s20 =	simm.s32 $0xBF00;
	s1 =	sadd.s32 s24, s1;
	[dreg:$0x15] =	wrdreg s21  }
0x22: {  	s13 =	simm.s32 $0xA;
	s0 =	sadd.s32 s26, s0;
	[dreg:$0x16] =	wrdreg s1  }
0x23: {  	s22 =	simm.s32 $0x80;
	s26 =	simm.s32 $0x1;
	[dreg:$0x17] =	wrdreg s0  }
0x24: {  	s0 =	simm.s32 $0x5;
	s1 =	simm.s32 $0x6;
	s21 =	simm.s32 $0x7  }
.LBB2_1:
0x25: {  	[dreg:$0x18] =	wrdreg s8  }
0x26: {  	s2 =	rddreg [dreg:$0xb];
	s24 =	simm.s32 $0xD  }
0x27: {  	[tilespmem:s3], [sflag:$0xD] =	stream.linear.gather [hbm4b:s2+s3], $0xD00, $0x38;
	[tilespmem:$0xC100] =	vst v63  }
0x28: {  	_ =	swait.ge [sflag:s24], $0xD00  }
0x29: {  	[sflag:s24] =	ssyncset.done $0x0  }
0x2a: {  	s9 =	simm.s32 $0xD00;
	s25 =	rddreg [dreg:$0xc];
	[sflag:s24] =	ssyncadd.s32 $0xFFFFF300  }
0x2b: {  	[tilespmem:s9], [sflag:$0xD] =	stream.linear.gather [hbm4b:s25+s3], $0x3200, $0x38;
	[tilespmem:$0xC100] =	vst v63  }
0x2c: {  	_ =	swait.ge [sflag:s24], $0x3200  }
0x2d: {  	[sflag:s24] =	ssyncset.done $0x0  }
0x2e: {  	s10 =	simm.s32 $0x0;
	s11 =	simm.s32 $0x3F00;
	[sflag:s24] =	ssyncadd.s32 $0xFFFFCE00  }
0x2f: {  	[tilespmem:s11], [sflag:$0x1] =	stream.indirect.gather [hbm4b:s4+s22], $0x40, s10, s22, $0xb8;
	[tilespmem:$0xC100] =	vst v63  }
0x30: {  	s16 =	simm.s32 $0x80  }
0x31: {  	[tilespmem:s23], [sflag:$0x2] =	stream.indirect.gather [hbm4b:s4+s22], $0x40, s16, s22, $0xb8;
	[tilespmem:$0xC100] =	vst v63  }
0x32: {  	s17 =	simm.s32 $0x100;
	s18 =	simm.s32 $0x7F00  }
0x33: {  	[tilespmem:s18], [sflag:$0x3] =	stream.indirect.gather [hbm4b:s4+s22], $0x40, s17, s22, $0xb8;
	[tilespmem:$0xC100] =	vst v63  }
0x34: {  	s19 =	simm.s32 $0x180;
	s16 =	simm.s32 $0x9F00  }
0x35: {  	[tilespmem:s16], [sflag:$0x4] =	stream.indirect.gather [hbm4b:s4+s22], $0x40, s19, s22, $0xb8;
	[tilespmem:$0xC100] =	vst v63  }
0x36: {  	_ =	swait.ge [sflag:s26], $0x2000  }
0x37: {  	[sflag:s26] =	ssyncset.done $0x0  }
0x38: {  	s24 =	rddreg [dreg:$0x12];
	[sflag:s26] =	ssyncadd.s32 $0xFFFFE000  }
0x39: {  	[hbm4b:s24+s3] =	stream.linear.scatter [tilespmem:s11], [sflag:$0x5], $0x2000, $0x38;
	[tilespmem:$0xC100] =	vst v63  }
0x3a: {  	_ =	swait.ge [sflag:s29], $0x2000  }
0x3b: {  	[sflag:s29] =	ssyncset.done $0x0  }
0x3c: {  	s10 =	rddreg [dreg:$0x11];
	[sflag:s29] =	ssyncadd.s32 $0xFFFFE000  }
0x3d: {  	[hbm4b:s10+s3] =	stream.linear.scatter [tilespmem:s23], [sflag:$0x6], $0x2000, $0x38;
	[tilespmem:$0xC100] =	vst v63  }
0x3e: {  	_ =	swait.ge [sflag:s30], $0x2000  }
0x3f: {  	[sflag:s30] =	ssyncset.done $0x0  }
0x40: {  	s25 =	rddreg [dreg:$0x10];
	[sflag:s30] =	ssyncadd.s32 $0xFFFFE000  }
0x41: {  	[hbm4b:s25+s3] =	stream.linear.scatter [tilespmem:s18], [sflag:$0x7], $0x2000, $0x38;
	[tilespmem:$0xC100] =	vst v63  }
0x42: {  	_ =	swait.ge [sflag:s31], $0x2000  }
0x43: {  	[sflag:s31] =	ssyncset.done $0x0  }
0x44: {  	s11 =	rddreg [dreg:$0x13];
	[sflag:s31] =	ssyncadd.s32 $0xFFFFE000  }
0x45: {  	[hbm4b:s11+s3] =	stream.linear.scatter [tilespmem:s16], [sflag:$0x8], $0x2000, $0x38;
	[tilespmem:$0xC100] =	vst v63  }
0x46: {  	_ =	swait.ge [sflag:s0], $0x2000  }
0x47: {  	[sflag:s0] =	ssyncset.done $0x0  }
0x48: {  	[sflag:s0] =	ssyncadd.s32 $0xFFFFE000  }
0x49: {  	_ =	swait.ge [sflag:s1], $0x2000  }
0x4a: {  	[sflag:s1] =	ssyncset.done $0x0  }
0x4b: {  	[sflag:s1] =	ssyncadd.s32 $0xFFFFE000  }
0x4c: {  	_ =	swait.ge [sflag:s21], $0x2000  }
0x4d: {  	[sflag:s21] =	ssyncset.done $0x0  }
0x4e: {  	s9 =	simm.s32 $0x1000;
	s17 =	sadd.s32 $0x1000, s10;
	[sflag:s21] =	ssyncadd.s32 $0xFFFFE000  }
0x4f: {  	s8 =	sadd.s32 $0x1000, s25;
	s18 =	simm.s32 $0x800;
	_ =	swait.ge [sflag:s7], $0x2000  }
0x50: {  	s2 =	sadd.s32 $0x1000, s11;
	s16 =	sadd.s32 $0x1000, s24;
	[sflag:s7] =	ssyncset.done $0x0  }
.LBB2_2:
0x51: {  	s10 =	sshra.s32 s18, $0x2;
	[sflag:s7] =	ssyncadd.s32 $0xFFFFE000  }
0x52: {  	s18 =	smov.u32 s9;
	s19 =	sadd.s32 $0x800, s9;
	s11 =	simm.s32 $0x3F00  }
0x53: {  	[tilespmem:s11], [sflag:$0x1] =	stream.indirect.gather [hbm4b:s4+s22], $0x40, s10, s22, $0xb8;
	[tilespmem:$0xC100] =	vst v63  }
0x54: {  	p0 =	sne.s32 s9, $0x2800;
	s9 =	sadd.s32 $0x80, s10  }
0x55: {  	[tilespmem:s23], [sflag:$0x2] =	stream.indirect.gather [hbm4b:s4+s22], $0x40, s9, s22, $0xb8;
	[tilespmem:$0xC100] =	vst v63  }
0x56: {  	s24 =	simm.s32 $0x7F00;
	s9 =	sadd.s32 $0x100, s10  }
0x57: {  	[tilespmem:s24], [sflag:$0x3] =	stream.indirect.gather [hbm4b:s4+s22], $0x40, s9, s22, $0xb8;
	[tilespmem:$0xC100] =	vst v63  }
0x58: {  	s9 =	sadd.s32 $0x180, s10;
	s10 =	simm.s32 $0x9F00  }
0x59: {  	[tilespmem:s10], [sflag:$0x4] =	stream.indirect.gather [hbm4b:s4+s22], $0x40, s9, s22, $0xb8;
	[tilespmem:$0xC100] =	vst v63  }
0x5a: {  	_ =	swait.ge [sflag:s26], $0x2000  }
0x5b: {  	[sflag:s26] =	ssyncset.done $0x0  }
0x5c: {  	[sflag:s26] =	ssyncadd.s32 $0xFFFFE000  }
0x5d: {  	[hbm4b:s16+s3] =	stream.linear.scatter [tilespmem:s11], [sflag:$0x5], $0x2000, $0x38;
	[tilespmem:$0xC100] =	vst v63  }
0x5e: {  	_ =	swait.ge [sflag:s29], $0x2000  }
0x5f: {  	[sflag:s29] =	ssyncset.done $0x0  }
0x60: {  	[sflag:s29] =	ssyncadd.s32 $0xFFFFE000  }
0x61: {  	[hbm4b:s17+s3] =	stream.linear.scatter [tilespmem:s23], [sflag:$0x6], $0x2000, $0x38;
	[tilespmem:$0xC100] =	vst v63  }
0x62: {  	_ =	swait.ge [sflag:s30], $0x2000  }
0x63: {  	[sflag:s30] =	ssyncset.done $0x0  }
0x64: {  	[sflag:s30] =	ssyncadd.s32 $0xFFFFE000  }
0x65: {  	[hbm4b:s8+s3] =	stream.linear.scatter [tilespmem:s24], [sflag:$0x7], $0x2000, $0x38;
	[tilespmem:$0xC100] =	vst v63  }
0x66: {  	_ =	swait.ge [sflag:s31], $0x2000  }
0x67: {  	[sflag:s31] =	ssyncset.done $0x0  }
0x68: {  	[sflag:s31] =	ssyncadd.s32 $0xFFFFE000  }
0x69: {  	[hbm4b:s2+s3] =	stream.linear.scatter [tilespmem:s10], [sflag:$0x8], $0x2000, $0x38;
	[tilespmem:$0xC100] =	vst v63  }
0x6a: {  	_ =	swait.ge [sflag:s0], $0x2000  }
0x6b: {  	[sflag:s0] =	ssyncset.done $0x0  }
0x6c: {  	[sflag:s0] =	ssyncadd.s32 $0xFFFFE000  }
0x6d: {  	_ =	swait.ge [sflag:s1], $0x2000  }
0x6e: {  	[sflag:s1] =	ssyncset.done $0x0  }
0x6f: {  	[sflag:s1] =	ssyncadd.s32 $0xFFFFE000  }
.Ltmp0:
0x70: {  	_ =	swait.ge [sflag:s21], $0x2000;
	(pc) =	sbr.rel @p0 .LBB2_2-.Ltmp0, $4  }
0x71: {  	[sflag:s21] =	ssyncset.done $0x0  }
0x72: {  	s9 =	smov.u32 s19;
	[sflag:s21] =	ssyncadd.s32 $0xFFFFE000  }
0x73: {  	s16 =	sadd.s32 $0x1000, s16;
	s2 =	sadd.s32 $0x1000, s2;
	_ =	swait.ge [sflag:s7], $0x2000  }
0x74: {  	s17 =	sadd.s32 $0x1000, s17;
	s8 =	sadd.s32 $0x1000, s8;
	[sflag:s7] =	ssyncset.done $0x0  }
0x75: {  	s9 =	sshra.s32 s18, $0x2;
	[sflag:s7] =	ssyncadd.s32 $0xFFFFE000;
	s18 =	simm.s32 $0x3F00  }
0x76: {  	[tilespmem:s18], [sflag:$0x1] =	stream.indirect.gather [hbm4b:s4+s22], $0x40, s9, s22, $0xb8;
	[tilespmem:$0xC100] =	vst v63  }
0x77: {  	s10 =	sadd.s32 $0x80, s9  }
0x78: {  	[tilespmem:s23], [sflag:$0x2] =	stream.indirect.gather [hbm4b:s4+s22], $0x40, s10, s22, $0xb8;
	[tilespmem:$0xC100] =	vst v63  }
0x79: {  	s19 =	simm.s32 $0x7F00;
	s11 =	sadd.s32 $0x100, s9  }
0x7a: {  	[tilespmem:s19], [sflag:$0x3] =	stream.indirect.gather [hbm4b:s4+s22], $0x40, s11, s22, $0xb8;
	[tilespmem:$0xC100] =	vst v63  }
0x7b: {  	s24 =	simm.s32 $0x9F00;
	s9 =	sadd.s32 $0x180, s9  }
0x7c: {  	[tilespmem:s24], [sflag:$0x4] =	stream.indirect.gather [hbm4b:s4+s22], $0x40, s9, s22, $0xb8;
	[tilespmem:$0xC100] =	vst v63  }
0x7d: {  	_ =	swait.ge [sflag:s26], $0x2000  }
0x7e: {  	[sflag:s26] =	ssyncset.done $0x0  }
0x7f: {  	[sflag:s26] =	ssyncadd.s32 $0xFFFFE000  }
0x80: {  	[hbm4b:s16+s3] =	stream.linear.scatter [tilespmem:s18], [sflag:$0x5], $0x2000, $0x38;
	[tilespmem:$0xC100] =	vst v63  }
0x81: {  	_ =	swait.ge [sflag:s29], $0x2000  }
0x82: {  	[sflag:s29] =	ssyncset.done $0x0  }
0x83: {  	[sflag:s29] =	ssyncadd.s32 $0xFFFFE000  }
0x84: {  	[hbm4b:s17+s3] =	stream.linear.scatter [tilespmem:s23], [sflag:$0x6], $0x2000, $0x38;
	[tilespmem:$0xC100] =	vst v63  }
0x85: {  	_ =	swait.ge [sflag:s30], $0x2000  }
0x86: {  	[sflag:s30] =	ssyncset.done $0x0  }
0x87: {  	[sflag:s30] =	ssyncadd.s32 $0xFFFFE000  }
0x88: {  	[hbm4b:s8+s3] =	stream.linear.scatter [tilespmem:s19], [sflag:$0x7], $0x2000, $0x38;
	[tilespmem:$0xC100] =	vst v63  }
0x89: {  	_ =	swait.ge [sflag:s31], $0x2000  }
0x8a: {  	[sflag:s31] =	ssyncset.done $0x0  }
0x8b: {  	[sflag:s31] =	ssyncadd.s32 $0xFFFFE000  }
0x8c: {  	[hbm4b:s2+s3] =	stream.linear.scatter [tilespmem:s24], [sflag:$0x8], $0x2000, $0x38;
	[tilespmem:$0xC100] =	vst v63  }
0x8d: {  	_ =	swait.ge [sflag:s0], $0x2000  }
0x8e: {  	[sflag:s0] =	ssyncset.done $0x0  }
0x8f: {  	[sflag:s0] =	ssyncadd.s32 $0xFFFFE000  }
0x90: {  	_ =	swait.ge [sflag:s1], $0x2000  }
0x91: {  	[sflag:s1] =	ssyncset.done $0x0  }
0x92: {  	[sflag:s1] =	ssyncadd.s32 $0xFFFFE000  }
0x93: {  	_ =	swait.ge [sflag:s21], $0x2000  }
0x94: {  	[sflag:s21] =	ssyncset.done $0x0  }
0x95: {  	[sflag:s21] =	ssyncadd.s32 $0xFFFFE000  }
0x96: {  	_ =	swait.ge [sflag:s7], $0x2000  }
0x97: {  	[sflag:s7] =	ssyncset.done $0x0  }
0x98: {  	s17 =	simm.s32 $0xC00;
	[sflag:s7] =	ssyncadd.s32 $0xFFFFE000  }
0x99: {  	[tilespmem:s18], [sflag:$0x1] =	stream.indirect.gather [hbm4b:s4+s22], $0x40, s17, s22, $0xb8;
	[tilespmem:$0xC100] =	vst v63  }
0x9a: {  	_ =	swait.ge [sflag:s26], $0x2000  }
0x9b: {  	[sflag:s26] =	ssyncset.done $0x0  }
0x9c: {  	s25 =	simm.s32 $0x0;
	s9 =	rddreg [dreg:$0xd];
	[sflag:s26] =	ssyncadd.s32 $0xFFFFE000  }
0x9d: {  	[hbm4b:s9+s25] =	stream.linear.scatter [tilespmem:s18], [sflag:$0x5], $0x2000, $0x38;
	[tilespmem:$0xC100] =	vst v63  }
0x9e: {  	_ =	swait.ge [sflag:s0], $0x2000  }
0x9f: {  	[sflag:s0] =	ssyncset.done $0x0  }
0xa0: {  	s10 =	simm.s32 $0xC80;
	[sflag:s0] =	ssyncadd.s32 $0xFFFFE000  }
0xa1: {  	[tilespmem:s18], [sflag:$0x1] =	stream.indirect.gather [hbm4b:s4+s22], $0x40, s10, s22, $0xb8;
	[tilespmem:$0xC100] =	vst v63  }
0xa2: {  	_ =	swait.ge [sflag:s26], $0x2000  }
0xa3: {  	[sflag:s26] =	ssyncset.done $0x0  }
0xa4: {  	s11 =	rddreg [dreg:$0xe];
	[sflag:s26] =	ssyncadd.s32 $0xFFFFE000  }
0xa5: {  	[hbm4b:s11+s25] =	stream.linear.scatter [tilespmem:s18], [sflag:$0x5], $0x2000, $0x38;
	[tilespmem:$0xC100] =	vst v63  }
0xa6: {  	_ =	swait.ge [sflag:s0], $0x2000  }
0xa7: {  	[sflag:s0] =	ssyncset.done $0x0  }
0xa8: {  	s16 =	simm.s32 $0xD00;
	[sflag:s0] =	ssyncadd.s32 $0xFFFFE000  }
0xa9: {  	[tilespmem:s18], [sflag:$0x1] =	stream.indirect.gather [hbm4b:s5+s22], $0x40, s16, s22, $0xb8;
	[tilespmem:$0xC100] =	vst v63  }
0xaa: {  	_ = 	snop  }
0xab: {  	[tilespmem:s20], [sflag:$0x9] =	stream.indirect.gather [hbm4b:s6+s22], $0x1, s16, s22, $0xb8;
	[tilespmem:$0xC100] =	vst v63  }
0xac: {  	s17 =	simm.s32 $0xD80  }
0xad: {  	[tilespmem:s23], [sflag:$0x2] =	stream.indirect.gather [hbm4b:s5+s22], $0x40, s17, s22, $0xb8;
	[tilespmem:$0xC100] =	vst v63  }
0xae: {  	s9 =	simm.s32 $0xBF80  }
0xaf: {  	[tilespmem:s9], [sflag:$0xA] =	stream.indirect.gather [hbm4b:s6+s22], $0x1, s17, s22, $0xb8;
	[tilespmem:$0xC100] =	vst v63  }
0xb0: {  	s25 =	simm.s32 $0xE00  }
0xb1: {  	[tilespmem:s19], [sflag:$0x3] =	stream.indirect.gather [hbm4b:s5+s22], $0x40, s25, s22, $0xb8;
	[tilespmem:$0xC100] =	vst v63  }
0xb2: {  	s17 =	simm.s32 $0xC000  }
0xb3: {  	[tilespmem:s17], [sflag:$0xB] =	stream.indirect.gather [hbm4b:s6+s22], $0x1, s25, s22, $0xb8;
	[tilespmem:$0xC100] =	vst v63  }
0xb4: {  	s8 =	simm.s32 $0xE80  }
0xb5: {  	[tilespmem:s24], [sflag:$0x4] =	stream.indirect.gather [hbm4b:s5+s22], $0x40, s8, s22, $0xb8;
	[tilespmem:$0xC100] =	vst v63  }
0xb6: {  	s16 =	simm.s32 $0xC080  }
0xb7: {  	[tilespmem:s16], [sflag:$0xC] =	stream.indirect.gather [hbm4b:s6+s22], $0x1, s8, s22, $0xb8;
	[tilespmem:$0xC100] =	vst v63  }
0xb8: {  	_ =	swait.ge [sflag:s26], $0x2000  }
0xb9: {  	[sflag:s26] =	ssyncset.done $0x0  }
0xba: {  	s11 =	rddreg [dreg:$0x16];
	[sflag:s26] =	ssyncadd.s32 $0xFFFFE000  }
0xbb: {  	[hbm4b:s11+s3] =	stream.linear.scatter [tilespmem:s18], [sflag:$0x5], $0x2000, $0x38;
	[tilespmem:$0xC100] =	vst v63  }
0xbc: {  	_ =	swait.ge [sflag:s12], $0x80  }
0xbd: {  	[sflag:s12] =	ssyncset.done $0x0  }
0xbe: {  	s10 =	rddreg [dreg:$0x9];
	[sflag:s12] =	ssyncadd.s32 $0xFFFFFF80  }
0xbf: {  	s8 =	rddreg [dreg:$0x5]  }
0xc0: {  	s2 =	sadd.s32 s8, s10  }
0xc1: {  	[hbm4b:s2+s3] =	stream.linear.scatter [tilespmem:s20], [sflag:$0x9], $0x80, $0x38;
	[tilespmem:$0xC100] =	vst v63  }
0xc2: {  	_ =	swait.ge [sflag:s29], $0x2000  }
0xc3: {  	[sflag:s29] =	ssyncset.done $0x0  }
0xc4: {  	s18 =	rddreg [dreg:$0x15];
	[sflag:s29] =	ssyncadd.s32 $0xFFFFE000  }
0xc5: {  	[hbm4b:s18+s3] =	stream.linear.scatter [tilespmem:s23], [sflag:$0x6], $0x2000, $0x38;
	[tilespmem:$0xC100] =	vst v63  }
0xc6: {  	_ =	swait.ge [sflag:s13], $0x80  }
0xc7: {  	s20 =	rddreg [dreg:$0x8];
	[sflag:s13] =	ssyncset.done $0x0  }
0xc8: {  	[sflag:s13] =	ssyncadd.s32 $0xFFFFFF80;
	s2 =	sadd.s32 s8, s20  }
0xc9: {  	[hbm4b:s2+s3] =	stream.linear.scatter [tilespmem:s9], [sflag:$0xA], $0x80, $0x38;
	[tilespmem:$0xC100] =	vst v63  }
0xca: {  	_ =	swait.ge [sflag:s30], $0x2000  }
0xcb: {  	[sflag:s30] =	ssyncset.done $0x0  }
0xcc: {  	s23 =	rddreg [dreg:$0x14];
	[sflag:s30] =	ssyncadd.s32 $0xFFFFE000  }
0xcd: {  	[hbm4b:s23+s3] =	stream.linear.scatter [tilespmem:s19], [sflag:$0x7], $0x2000, $0x38;
	[tilespmem:$0xC100] =	vst v63  }
0xce: {  	_ =	swait.ge [sflag:s14], $0x80  }
0xcf: {  	s25 =	rddreg [dreg:$0x7];
	[sflag:s14] =	ssyncset.done $0x0  }
0xd0: {  	[sflag:s14] =	ssyncadd.s32 $0xFFFFFF80;
	s2 =	sadd.s32 s8, s25  }
0xd1: {  	[hbm4b:s2+s3] =	stream.linear.scatter [tilespmem:s17], [sflag:$0xB], $0x80, $0x38;
	[tilespmem:$0xC100] =	vst v63  }
0xd2: {  	_ =	swait.ge [sflag:s31], $0x2000  }
0xd3: {  	[sflag:s31] =	ssyncset.done $0x0  }
0xd4: {  	s26 =	rddreg [dreg:$0x17];
	[sflag:s31] =	ssyncadd.s32 $0xFFFFE000  }
0xd5: {  	[hbm4b:s26+s3] =	stream.linear.scatter [tilespmem:s24], [sflag:$0x8], $0x2000, $0x38;
	[tilespmem:$0xC100] =	vst v63  }
0xd6: {  	_ =	swait.ge [sflag:s15], $0x80  }
0xd7: {  	s29 =	rddreg [dreg:$0xa];
	[sflag:s15] =	ssyncset.done $0x0  }
0xd8: {  	[sflag:s15] =	ssyncadd.s32 $0xFFFFFF80;
	s2 =	sadd.s32 s8, s29  }
0xd9: {  	[hbm4b:s2+s3] =	stream.linear.scatter [tilespmem:s16], [sflag:$0xC], $0x80, $0x38;
	[tilespmem:$0xC100] =	vst v63  }
0xda: {  	_ =	swait.ge [sflag:s0], $0x2000  }
0xdb: {  	[sflag:s0] =	ssyncset.done $0x0  }
0xdc: {  	[sflag:s0] =	ssyncadd.s32 $0xFFFFE000  }
0xdd: {  	_ =	swait.ge [sflag:s12], $0x80  }
0xde: {  	[sflag:s12] =	ssyncset.done $0x0  }
0xdf: {  	[sflag:s12] =	ssyncadd.s32 $0xFFFFFF80  }
0xe0: {  	_ =	swait.ge [sflag:s1], $0x2000  }
0xe1: {  	[sflag:s1] =	ssyncset.done $0x0  }
0xe2: {  	[sflag:s1] =	ssyncadd.s32 $0xFFFFE000  }
0xe3: {  	_ =	swait.ge [sflag:s13], $0x80  }
0xe4: {  	[sflag:s13] =	ssyncset.done $0x0  }
0xe5: {  	[sflag:s13] =	ssyncadd.s32 $0xFFFFFF80  }
0xe6: {  	_ =	swait.ge [sflag:s21], $0x2000  }
0xe7: {  	[sflag:s21] =	ssyncset.done $0x0  }
0xe8: {  	[sflag:s21] =	ssyncadd.s32 $0xFFFFE000  }
0xe9: {  	_ =	swait.ge [sflag:s14], $0x80  }
0xea: {  	[sflag:s14] =	ssyncset.done $0x0  }
0xeb: {  	[sflag:s14] =	ssyncadd.s32 $0xFFFFFF80  }
0xec: {  	_ =	swait.ge [sflag:s7], $0x2000  }
0xed: {  	s20 =	sadd.s32 $0x1000, s11;
	[sflag:s7] =	ssyncset.done $0x0  }
0xee: {  	s9 =	simm.s32 $0x200;
	s19 =	sadd.s32 $0x1000, s23;
	[sflag:s7] =	ssyncadd.s32 $0xFFFFE000  }
0xef: {  	s17 =	sadd.s32 $0x1000, s26;
	s16 =	simm.s32 $0x1000;
	_ =	swait.ge [sflag:s15], $0x80  }
0xf0: {  	s2 =	sadd.s32 $0x1000, s18;
	s18 =	sadd.s32 $0x40, s8;
	[sflag:s15] =	ssyncset.done $0x0  }
.LBB2_4:
0xf1: {  	s11 =	sadd.s32 $0xD00, s9;
	[sflag:s15] =	ssyncadd.s32 $0xFFFFFF80;
	s24 =	simm.s32 $0x3F00  }
0xf2: {  	[tilespmem:s24], [sflag:$0x1] =	stream.indirect.gather [hbm4b:s5+s22], $0x40, s11, s22, $0xb8;
	[tilespmem:$0xC100] =	vst v63  }
0xf3: {  	s8 =	smov.u32 s16;
	s10 =	sadd.s32 $0x800, s16;
	s29 =	simm.s32 $0xBF00  }
0xf4: {  	[tilespmem:s29], [sflag:$0x9] =	stream.indirect.gather [hbm4b:s6+s22], $0x1, s11, s22, $0xb8;
	[tilespmem:$0xC100] =	vst v63  }
0xf5: {  	p0 =	sne.s32 s16, $0xC000;
	s26 =	sadd.s32 $0xD80, s9;
	s16 =	simm.s32 $0x5F00  }
0xf6: {  	[tilespmem:s16], [sflag:$0x2] =	stream.indirect.gather [hbm4b:s5+s22], $0x40, s26, s22, $0xb8;
	[tilespmem:$0xC100] =	vst v63  }
0xf7: {  	_ = 	snop  }
0xf8: {  	[tilespmem:s28], [sflag:$0xA] =	stream.indirect.gather [hbm4b:s6+s22], $0x1, s26, s22, $0xb8;
	[tilespmem:$0xC100] =	vst v63  }
0xf9: {  	s23 =	sadd.s32 $0xE00, s9;
	s26 =	simm.s32 $0x7F00  }
0xfa: {  	[tilespmem:s26], [sflag:$0x3] =	stream.indirect.gather [hbm4b:s5+s22], $0x40, s23, s22, $0xb8;
	[tilespmem:$0xC100] =	vst v63  }
0xfb: {  	s25 =	simm.s32 $0xC000  }
0xfc: {  	[tilespmem:s25], [sflag:$0xB] =	stream.indirect.gather [hbm4b:s6+s22], $0x1, s23, s22, $0xb8;
	[tilespmem:$0xC100] =	vst v63  }
0xfd: {  	s9 =	sadd.s32 $0xE80, s9;
	s23 =	simm.s32 $0x9F00  }
0xfe: {  	[tilespmem:s23], [sflag:$0x4] =	stream.indirect.gather [hbm4b:s5+s22], $0x40, s9, s22, $0xb8;
	[tilespmem:$0xC100] =	vst v63  }
0xff: {  	s11 =	simm.s32 $0xC080  }
0x100: {  	[tilespmem:s11], [sflag:$0xC] =	stream.indirect.gather [hbm4b:s6+s22], $0x1, s9, s22, $0xb8;
	[tilespmem:$0xC100] =	vst v63  }
0x101: {  	s9 =	simm.s32 $0x1  }
0x102: {  	_ =	swait.ge [sflag:s9], $0x2000  }
0x103: {  	[sflag:s9] =	ssyncset.done $0x0  }
0x104: {  	[sflag:s9] =	ssyncadd.s32 $0xFFFFE000  }
0x105: {  	[hbm4b:s20+s3] =	stream.linear.scatter [tilespmem:s24], [sflag:$0x5], $0x2000, $0x38;
	[tilespmem:$0xC100] =	vst v63  }
0x106: {  	_ =	swait.ge [sflag:s12], $0x80  }
0x107: {  	s24 =	rddreg [dreg:$0x9];
	[sflag:s12] =	ssyncset.done $0x0  }
0x108: {  	[sflag:s12] =	ssyncadd.s32 $0xFFFFFF80;
	s9 =	sadd.s32 s18, s24  }
0x109: {  	[hbm4b:s9+s3] =	stream.linear.scatter [tilespmem:s29], [sflag:$0x9], $0x80, $0x38;
	[tilespmem:$0xC100] =	vst v63  }
0x10a: {  	s29 =	simm.s32 $0x2  }
0x10b: {  	_ =	swait.ge [sflag:s29], $0x2000  }
0x10c: {  	[sflag:s29] =	ssyncset.done $0x0  }
0x10d: {  	[sflag:s29] =	ssyncadd.s32 $0xFFFFE000  }
0x10e: {  	[hbm4b:s2+s3] =	stream.linear.scatter [tilespmem:s16], [sflag:$0x6], $0x2000, $0x38;
	[tilespmem:$0xC100] =	vst v63  }
0x10f: {  	_ =	swait.ge [sflag:s13], $0x80  }
0x110: {  	s16 =	rddreg [dreg:$0x8];
	[sflag:s13] =	ssyncset.done $0x0  }
0x111: {  	[sflag:s13] =	ssyncadd.s32 $0xFFFFFF80;
	s9 =	sadd.s32 s18, s16  }
0x112: {  	[hbm4b:s9+s3] =	stream.linear.scatter [tilespmem:s28], [sflag:$0xA], $0x80, $0x38;
	[tilespmem:$0xC100] =	vst v63  }
0x113: {  	_ =	swait.ge [sflag:s30], $0x2000  }
0x114: {  	[sflag:s30] =	ssyncset.done $0x0  }
0x115: {  	[sflag:s30] =	ssyncadd.s32 $0xFFFFE000  }
0x116: {  	[hbm4b:s19+s3] =	stream.linear.scatter [tilespmem:s26], [sflag:$0x7], $0x2000, $0x38;
	[tilespmem:$0xC100] =	vst v63  }
0x117: {  	_ =	swait.ge [sflag:s14], $0x80  }
0x118: {  	s24 =	rddreg [dreg:$0x7];
	[sflag:s14] =	ssyncset.done $0x0  }
0x119: {  	[sflag:s14] =	ssyncadd.s32 $0xFFFFFF80;
	s9 =	sadd.s32 s18, s24  }
0x11a: {  	[hbm4b:s9+s3] =	stream.linear.scatter [tilespmem:s25], [sflag:$0xB], $0x80, $0x38;
	[tilespmem:$0xC100] =	vst v63  }
0x11b: {  	_ =	swait.ge [sflag:s31], $0x2000  }
0x11c: {  	[sflag:s31] =	ssyncset.done $0x0  }
0x11d: {  	[sflag:s31] =	ssyncadd.s32 $0xFFFFE000  }
0x11e: {  	[hbm4b:s17+s3] =	stream.linear.scatter [tilespmem:s23], [sflag:$0x8], $0x2000, $0x38;
	[tilespmem:$0xC100] =	vst v63  }
0x11f: {  	_ =	swait.ge [sflag:s15], $0x80  }
0x120: {  	s26 =	rddreg [dreg:$0xa];
	[sflag:s15] =	ssyncset.done $0x0  }
0x121: {  	[sflag:s15] =	ssyncadd.s32 $0xFFFFFF80;
	s9 =	sadd.s32 s18, s26  }
0x122: {  	[hbm4b:s9+s3] =	stream.linear.scatter [tilespmem:s11], [sflag:$0xC], $0x80, $0x38;
	[tilespmem:$0xC100] =	vst v63  }
0x123: {  	_ =	swait.ge [sflag:s0], $0x2000  }
0x124: {  	[sflag:s0] =	ssyncset.done $0x0  }
0x125: {  	[sflag:s0] =	ssyncadd.s32 $0xFFFFE000  }
0x126: {  	_ =	swait.ge [sflag:s12], $0x80  }
0x127: {  	[sflag:s12] =	ssyncset.done $0x0  }
0x128: {  	[sflag:s12] =	ssyncadd.s32 $0xFFFFFF80  }
0x129: {  	_ =	swait.ge [sflag:s1], $0x2000  }
0x12a: {  	[sflag:s1] =	ssyncset.done $0x0  }
0x12b: {  	[sflag:s1] =	ssyncadd.s32 $0xFFFFE000  }
0x12c: {  	_ =	swait.ge [sflag:s13], $0x80  }
0x12d: {  	[sflag:s13] =	ssyncset.done $0x0  }
0x12e: {  	[sflag:s13] =	ssyncadd.s32 $0xFFFFFF80  }
0x12f: {  	_ =	swait.ge [sflag:s21], $0x2000  }
0x130: {  	[sflag:s21] =	ssyncset.done $0x0  }
0x131: {  	[sflag:s21] =	ssyncadd.s32 $0xFFFFE000  }
0x132: {  	_ =	swait.ge [sflag:s14], $0x80  }
0x133: {  	[sflag:s14] =	ssyncset.done $0x0  }
0x134: {  	[sflag:s14] =	ssyncadd.s32 $0xFFFFFF80  }
.Ltmp1:
0x135: {  	_ =	swait.ge [sflag:s7], $0x2000;
	(pc) =	sbr.rel @p0 .LBB2_4-.Ltmp1, $4  }
0x136: {  	s20 =	sadd.s32 $0x1000, s20;
	[sflag:s7] =	ssyncset.done $0x0  }
0x137: {  	s2 =	sadd.s32 $0x1000, s2;
	s16 =	smov.u32 s10;
	[sflag:s7] =	ssyncadd.s32 $0xFFFFE000  }
0x138: {  	s19 =	sadd.s32 $0x1000, s19;
	s17 =	sadd.s32 $0x1000, s17;
	_ =	swait.ge [sflag:s15], $0x80  }
0x139: {  	s18 =	sadd.s32 $0x40, s18;
	s9 =	sshra.s32 s8, $0x2;
	[sflag:s15] =	ssyncset.done $0x0  }
0x13a: {  	s8 =	sadd.s32 $0xD00, s9;
	[sflag:s15] =	ssyncadd.s32 $0xFFFFFF80;
	s10 =	simm.s32 $0x3F00  }
0x13b: {  	[tilespmem:s10], [sflag:$0x1] =	stream.indirect.gather [hbm4b:s5+s22], $0x40, s8, s22, $0xb8;
	[tilespmem:$0xC100] =	vst v63  }
0x13c: {  	s23 =	simm.s32 $0xBF00  }
0x13d: {  	[tilespmem:s23], [sflag:$0x9] =	stream.indirect.gather [hbm4b:s6+s22], $0x1, s8, s22, $0xb8;
	[tilespmem:$0xC100] =	vst v63  }
0x13e: {  	s16 =	sadd.s32 $0xD80, s9;
	s11 =	simm.s32 $0x5F00  }
0x13f: {  	[tilespmem:s11], [sflag:$0x2] =	stream.indirect.gather [hbm4b:s5+s22], $0x40, s16, s22, $0xb8;
	[tilespmem:$0xC100] =	vst v63  }
0x140: {  	s25 =	simm.s32 $0xBF80  }
0x141: {  	[tilespmem:s25], [sflag:$0xA] =	stream.indirect.gather [hbm4b:s6+s22], $0x1, s16, s22, $0xb8;
	[tilespmem:$0xC100] =	vst v63  }
0x142: {  	s24 =	sadd.s32 $0xE00, s9;
	s16 =	simm.s32 $0x7F00  }
0x143: {  	[tilespmem:s16], [sflag:$0x3] =	stream.indirect.gather [hbm4b:s5+s22], $0x40, s24, s22, $0xb8;
	[tilespmem:$0xC100] =	vst v63  }
0x144: {  	s11 =	simm.s32 $0xC000  }
0x145: {  	[tilespmem:s11], [sflag:$0xB] =	stream.indirect.gather [hbm4b:s6+s22], $0x1, s24, s22, $0xb8;
	[tilespmem:$0xC100] =	vst v63  }
0x146: {  	s26 =	sadd.s32 $0xE80, s9;
	s24 =	simm.s32 $0x9F00  }
0x147: {  	[tilespmem:s24], [sflag:$0x4] =	stream.indirect.gather [hbm4b:s5+s22], $0x40, s26, s22, $0xb8;
	[tilespmem:$0xC100] =	vst v63  }
0x148: {  	s9 =	simm.s32 $0xC080  }
0x149: {  	[tilespmem:s9], [sflag:$0xC] =	stream.indirect.gather [hbm4b:s6+s22], $0x1, s26, s22, $0xb8;
	[tilespmem:$0xC100] =	vst v63  }
0x14a: {  	s26 =	simm.s32 $0x1  }
0x14b: {  	_ =	swait.ge [sflag:s26], $0x2000  }
0x14c: {  	[sflag:s26] =	ssyncset.done $0x0  }
0x14d: {  	[sflag:s26] =	ssyncadd.s32 $0xFFFFE000  }
0x14e: {  	[hbm4b:s20+s3] =	stream.linear.scatter [tilespmem:s10], [sflag:$0x5], $0x2000, $0x38;
	[tilespmem:$0xC100] =	vst v63  }
0x14f: {  	_ =	swait.ge [sflag:s12], $0x80  }
0x150: {  	s20 =	rddreg [dreg:$0x9];
	[sflag:s12] =	ssyncset.done $0x0  }
0x151: {  	[sflag:s12] =	ssyncadd.s32 $0xFFFFFF80;
	s8 =	sadd.s32 s18, s20  }
0x152: {  	[hbm4b:s8+s3] =	stream.linear.scatter [tilespmem:s23], [sflag:$0x9], $0x80, $0x38;
	[tilespmem:$0xC100] =	vst v63  }
0x153: {  	_ =	swait.ge [sflag:s29], $0x2000  }
0x154: {  	[sflag:s29] =	ssyncset.done $0x0  }
0x155: {  	s23 =	simm.s32 $0x5F00;
	[sflag:s29] =	ssyncadd.s32 $0xFFFFE000  }
0x156: {  	[hbm4b:s2+s3] =	stream.linear.scatter [tilespmem:s23], [sflag:$0x6], $0x2000, $0x38;
	[tilespmem:$0xC100] =	vst v63  }
0x157: {  	_ =	swait.ge [sflag:s13], $0x80  }
0x158: {  	s10 =	rddreg [dreg:$0x8];
	[sflag:s13] =	ssyncset.done $0x0  }
0x159: {  	[sflag:s13] =	ssyncadd.s32 $0xFFFFFF80;
	s2 =	sadd.s32 s18, s10  }
0x15a: {  	[hbm4b:s2+s3] =	stream.linear.scatter [tilespmem:s25], [sflag:$0xA], $0x80, $0x38;
	[tilespmem:$0xC100] =	vst v63  }
0x15b: {  	_ =	swait.ge [sflag:s30], $0x2000  }
0x15c: {  	[sflag:s30] =	ssyncset.done $0x0  }
0x15d: {  	[sflag:s30] =	ssyncadd.s32 $0xFFFFE000  }
0x15e: {  	[hbm4b:s19+s3] =	stream.linear.scatter [tilespmem:s16], [sflag:$0x7], $0x2000, $0x38;
	[tilespmem:$0xC100] =	vst v63  }
0x15f: {  	_ =	swait.ge [sflag:s14], $0x80  }
0x160: {  	s19 =	rddreg [dreg:$0x7];
	[sflag:s14] =	ssyncset.done $0x0  }
0x161: {  	[sflag:s14] =	ssyncadd.s32 $0xFFFFFF80;
	s2 =	sadd.s32 s18, s19  }
0x162: {  	[hbm4b:s2+s3] =	stream.linear.scatter [tilespmem:s11], [sflag:$0xB], $0x80, $0x38;
	[tilespmem:$0xC100] =	vst v63  }
0x163: {  	_ =	swait.ge [sflag:s31], $0x2000  }
0x164: {  	[sflag:s31] =	ssyncset.done $0x0  }
0x165: {  	[sflag:s31] =	ssyncadd.s32 $0xFFFFE000  }
0x166: {  	[hbm4b:s17+s3] =	stream.linear.scatter [tilespmem:s24], [sflag:$0x8], $0x2000, $0x38;
	[tilespmem:$0xC100] =	vst v63  }
0x167: {  	_ =	swait.ge [sflag:s15], $0x80  }
0x168: {  	s20 =	rddreg [dreg:$0xa];
	[sflag:s15] =	ssyncset.done $0x0  }
0x169: {  	s2 =	sadd.s32 s18, s20;
	[sflag:s15] =	ssyncadd.s32 $0xFFFFFF80  }
0x16a: {  	[hbm4b:s2+s3] =	stream.linear.scatter [tilespmem:s9], [sflag:$0xC], $0x80, $0x38;
	[tilespmem:$0xC100] =	vst v63  }
0x16b: {  	_ =	swait.ge [sflag:s0], $0x2000  }
0x16c: {  	[sflag:s0] =	ssyncset.done $0x0  }
0x16d: {  	[sflag:s0] =	ssyncadd.s32 $0xFFFFE000  }
0x16e: {  	_ =	swait.ge [sflag:s12], $0x80  }
0x16f: {  	[sflag:s12] =	ssyncset.done $0x0  }
0x170: {  	[sflag:s12] =	ssyncadd.s32 $0xFFFFFF80  }
0x171: {  	_ =	swait.ge [sflag:s1], $0x2000  }
0x172: {  	[sflag:s1] =	ssyncset.done $0x0  }
0x173: {  	[sflag:s1] =	ssyncadd.s32 $0xFFFFE000  }
0x174: {  	_ =	swait.ge [sflag:s13], $0x80  }
0x175: {  	[sflag:s13] =	ssyncset.done $0x0  }
0x176: {  	[sflag:s13] =	ssyncadd.s32 $0xFFFFFF80  }
0x177: {  	_ =	swait.ge [sflag:s21], $0x2000  }
0x178: {  	[sflag:s21] =	ssyncset.done $0x0  }
0x179: {  	[sflag:s21] =	ssyncadd.s32 $0xFFFFE000  }
0x17a: {  	_ =	swait.ge [sflag:s14], $0x80  }
0x17b: {  	[sflag:s14] =	ssyncset.done $0x0  }
0x17c: {  	[sflag:s14] =	ssyncadd.s32 $0xFFFFFF80  }
0x17d: {  	_ =	swait.ge [sflag:s7], $0x2000  }
0x17e: {  	[sflag:s7] =	ssyncset.done $0x0  }
0x17f: {  	[sflag:s7] =	ssyncadd.s32 $0xFFFFE000  }
0x180: {  	_ =	swait.ge [sflag:s15], $0x80  }
0x181: {  	s24 =	rddreg [dreg:$0x18]  }
0x182: {  	s25 =	rddreg [dreg:$0xf];
	s8 =	sadd.s32 $0x1, s24  }
0x183: {  	p0 =	sne.s32 s8, s25  }
.Ltmp2:
0x184: {  	_ = 	snop;
	(pc) =	sbr.rel @p0 .LBB2_1-.Ltmp2, $3  }
0x185: {  	_ =	sdelay $0x1  }
0x186: {  	[sflag:s15] =	ssyncset.done $0x0  }
0x187: {  	s20 =	simm.s32 $0xBF00;
	[sflag:s15] =	ssyncadd.s32 $0xFFFFFF80  }
0x188: {  	_ =	sfence.sel $0x180000  }
0x189: {  	[bflag:$0x0] =	sbarrier.arrive $0xFFFF  }
0x18a: {  	_ =	strace $0x90000047  }
0x18b: {  	s0 =	stileid.u32;
	[bflag:$0x2] =	sbarrier.arrive $0xFFFF  }
0x18c: {  	p0 =	sne.s32 s0, $0x0;
	s0 =	rddreg [dreg:$0x6]  }
0x18d: {  	s0 =	sadd.s32 @!p0 $0x100000, s0  }
0x18e: {  	[sflag:s0] =	ssyncadd.tile.s32 @!p0 $0x1;
	_ =	shalt  }
.Lfunc_end2:
_tile_overlayer_lowered:
.L_overlay_start_2:
0x18f: {  	(tag) =	ssettag $0x2  }
0x190: {  	s0 =	rddreg [dreg:$0x0];
	s2 =	stileid.u32  }
0x191: {  	s1 =	rddreg [dreg:$0x1];
	p0 =	sne.s32 s2, $0x0  }
0x192: {  	s3 =	rddreg [dreg:$0x2];
	[bflag:$0x3] =	sbarrier.arrive $0xFFFF;
	s2 =	simm.s32 @!p0 $0x1C0D  }
0x193: {  	[timem:s3], [sflag:s2] =	dma.local @!p0 [hbm:s0], s1  }
0x194: {  	s0 =	simm.s32 @!p0 $0xD  }
0x195: {  	_ =	swait.ge @!p0 [sflag:s0], s1  }
0x196: {  	s1 =	ssub.s32 @!p0 $0x0, s1;
	[sflag:s0] =	ssyncset.done @!p0 $0x0  }
0x197: {  	[sflag:s0] =	ssyncadd.s32 @!p0 s1  }
0x198: {  	[bflag:$0x3] =	sbarrier.arrive $0xFFFF  }
0x199: {  	_ =	shalt  }

// kernel: sparse-core-data-format-call.cloned.1.call-start
scs
called_computation_lowered:
.L_overlay_start_0:
0x0: {  	s2 =	sld [smem:$0x3FD9]  }
0x1: {  	s3 =	sld [smem:$0x3FFE];
	_ =	sdelay $0x1  }
0x2: {  	s1 =	srdreg.scid  }
0x3: {  	s0 =	sand.u32 $0x1, s1  }
0x4: {  	s15 =	sshll.u32 s0, $0xA;
	s2 =	sadd.s32 s3, s2  }
0x5: {  	s2 =	sadd.s32 s2, s15  }
0x6: {  	[smem:$0x3FC3] =	sst s2  }
0x7: {  	_ = 	snop  }
0x8: {  	s2 =	sld [smem:$0x3FD0];
	_ =	sdelay $0x2  }
0x9: {  	s16 =	simm.s32 $0xA;
	s4 =	simm.s32 $0x10  }
0xa: {  	[smem:s4], [sflag:s16] =	dma.local [hbm:s2], $0x1  }
0xb: {  	_ =	swait.eq [sflag:s16], $0x1  }
0xc: {  	[sflag:s16] =	ssyncset.done $0x0  }
0xd: {  	[sflag:s16] =	ssyncadd.s32 $0xFFFFFFFF  }
0xe: {  	s17 =	sld [smem:$0x11];
	(tm) =	ssettm $0x1  }
0xf: {  	s18 =	sld [smem:$0x3FFB];
	_ =	sdelay $0x3  }
0x10: {  	_ =	strace s18  }
0x11: {  	s3 =	sld [smem:$0x3FFC];
	_ =	sdelay $0x3  }
0x12: {  	_ =	strace s3  }
0x13: {  	s3 =	sld [smem:$0x3FFD];
	_ =	sdelay $0x3  }
0x14: {  	_ =	strace s3  }
0x15: {  	_ =	strace $0x8FFFFFFF  }
0x16: {  	s19 =	sld [smem:$0x3FDB];
	_ =	sdelay $0x1  }
0x17: {  	s20 =	simm.s32 $_scs_section_size  }
0x18: {  	s5 =	simm.s32 $_size__tile_overlayer_lowered;
	s6 =	simm.s32 $_tile_overlayer_lowered  }
0x19: {  	s23 =	simm.s32 $0x1BFF;
	s22 =	sshll.u32 s6, $0x1;
	s3 =	sadd.s32 s20, s19  }
0x1a: {  	s7 =	simm.s32 $0x0;
	s21 =	sshll.u32 s5, $0x1;
	s5 =	sadd.s32 s22, s3  }
0x1b: {  	[timem:s7], [sflag:s23] =	dma.local [hbm:s5], s21  }
0x1c: {  	_ =	swait.ge [sflag:s23], s21  }
0x1d: {  	s4 =	ssub.s32 $0x0, s21;
	[sflag:s23] =	ssyncset.done $0x0  }
0x1e: {  	[sflag:s23] =	ssyncadd.s32 s4;
	_ =	sdelay $0x1  }
0x1f: {  	s24 =	simm.s32 $0x1B8B  }
0x20: {  	_ =	swait.ge [sflag:s24], $0x1  }
0x21: {  	[sflag:s24] =	ssyncset.done $0x0  }
0x22: {  	s26 =	simm.s32 $0x1B8E;
	s25 =	sld [smem:$0x3FFE];
	[sflag:s24] =	ssyncadd.s32 $0xFFFFFFFF  }
0x23: {  	s27 =	simm.s32 $execute0_lowered;
	[smem:$0x3FD2] =	sst s26  }
0x24: {  	s5 =	sshll.u32 s27, $0x1;
	_ =	strace $0x80000049;
	[dreg:$0x1] =	wrdreg $0xFFFFFFFF  }
0x25: {  	s28 =	simm.s32 $_size_execute0_lowered;
	s3 =	sadd.s32 s3, s5;
	[dreg:$0x0] =	wrdreg $0x0  }
0x26: {  	s5 =	sshll.u32 s28, $0x1;
	[dreg:$0x2] =	wrdreg s3  }
0x27: {  	[dreg:$0x3] =	wrdreg s5  }
0x28: {  	[dreg:$0x4] =	wrdreg $0xC0  }
0x29: {  	_ =	task [dreg:s7], $0x5FFFF  }
0x2a: {  	[dreg:$0x1] =	wrdreg $0xFFFFFFFF  }
0x2b: {  	[dreg:$0x0] =	wrdreg $0x60  }
0x2c: {  	[dreg:$0x2] =	wrdreg s25  }
0x2d: {  	[dreg:$0x3] =	wrdreg s17  }
0x2e: {  	[dreg:$0x4] =	wrdreg $0x9  }
0x2f: {  	_ =	task.clear_ibuf [dreg:s7], $0x5FFFF;
	_ =	strace $0x90000049  }
0x30: {  	s29 =	simm.s32 $0x9;
	_ =	strace $0x8000004B  }
0x31: {  	_ =	swait.ge [sflag:s29], $0x1  }
0x32: {  	[sflag:s29] =	ssyncadd.s32 $0xFFFFFFFF  }
0x33: {  	_ =	strace $0x9000004B  }
0x34: {  	_ =	sfence  }
0x35: {  	s30 =	sld [smem:$0x0];
	_ =	sdelay $0x2  }
0x36: {  	s31 =	sshll.u32 s1, $0xD;
	s1 =	sshrl.u32 s1, $0x2  }
0x37: {  	s3 =	sand.u32 $0x4000, s31;
	s1 =	sadd.s32 s1, s30  }
0x38: {  	s0 =	sor.u32 s3, s0;
	s1 =	sshll.u32 s1, $0x11  }
0x39: {  	s0 =	sor.u32 s1, s0  }
0x3a: {  	s0 =	sadd.s32 $0x8F2B, s0  }
0x3b: {  	[sflag:s0] =	ssyncadd.remote.s32 $0x1  }
0x3c: {  	_ =	sfence.sel $0xFFFF  }
0x3d: {  	[dreg:$0x0] =	wrdreg $0xFFFFFFFF;
	(pc) =	sbr.abs _section_cstart, $3  }
0x3e: {  	[dreg:$0x1] =	wrdreg $0xFFFFFFFF  }
0x3f: {  	_ =	task.clear_ibuf [dreg:s7], $0x2FFFF;
	_ =	strace $0x9FFFFFFF  }
0x40: {  	(tm) =	ssettm $0x7FFFFFFF  }
0x41: {  	_ =	shalt  }
tec
execute0_lowered:
.L_overlay_start_1:
0x0: {  	(tag) =	ssettag $0x1  }
0x1: {  	s0 =	srdreg.scid  }
0x2: {  	s1 =	sshll.u32 s0, $0x4  }
0x3: {  	s4 =	rddreg [dreg:$0x0];
	s0 =	stileid.u32;
	s1 =	sand.u32 $0x10, s1  }
0x4: {  	s2 =	rddreg [dreg:$0x1];
	s7 =	simm.s32 $0x1;
	s1 =	sor.u32 s0, s1  }
0x5: {  	s8 =	simm.s32 $0x2;
	s11 =	simm.s32 $0x0;
	s3 =	sshll.u32 s1, $0x7  }
0x6: {  	s10 =	simm.s32 $0x0;
	s4 =	sadd.s32 $0x2800, s4;
	s6 =	ssub.s32 $0x64000, s3  }
.Ltmp0:
0x7: {  	s1 =	rddreg [dreg:$0x2];
	s5 =	sand.u32 $0xF80, s6;
	(pc) =	sbr.rel .LBB1_1-.Ltmp0, $4  }
0x8: {  	_ =	strace $0x8000004A;
	s9 =	smov.u32 s3;
	p0 =	sne.s32 s5, $0x0  }
0x9: {  	s6 =	sshrl.u32 s6, $0xC;
	s5 =	simm.s32 $0x1;
	s7 =	simm.s32 @!p0 $0x0  }
0xa: {  	[sflag:s5] =	ssyncpa.u1 $0x0;
	p0 =	por $0x0, $0x0;
	s6 =	sadd.s32 s7, s6  }
0xb: {  	[sflag:s8] =	ssyncpa.u1 $0x0;
	s8 =	simm.s32 $0x320000;
	s7 =	sadd.s32 $0x1, s6  }
.LBB1_4:
0xc: {  	s14 =	sshll.u32 s11, $0x3  }
0xd: {  	s30 =	sand.u32 $0x7F, s11;
	s15 =	sand.u32 $0xFFFFFC00, s14  }
0xe: {  	s11 =	sor.u32 s30, s15  }
0xf: {  	s15 =	smulhi.u32 $0x51EB851F, s11  }
0x10: {  	s14 =	smulhi.u32 $0x51EB851F, s14  }
0x11: {  	s15 =	sshrl.u32 s15, $0x11  }
0x12: {  	s14 =	sshrl.u32 s14, $0x11;
	s15 =	smul.u32 $0x64000, s15  }
0x13: {  	s14 =	sand.u32 $0x3F, s14  }
0x14: {  	s14 =	smul.u32 $0xC800, s14;
	s11 =	ssub.s32 s11, s15  }
0x15: {  	[tilespmem:s13+$0x810 ss:$0x81] =	vst.msk $0xffff, v2;
	s15 =	sand.u32 $0x7, s11  }
0x16: {  	[tilespmem:s13+$0x1020 ss:$0x81] =	vst.msk $0xffff, v0;
	s14 =	sadd.s32 s2, s14;
	s11 =	sshrl.u32 s11, $0x3;
	s15 =	sshll.u32 s15, $0x12  }
0x17: {  	[tilespmem:s13+$0x0 ss:$0x81] =	vst.msk $0xffff, v1;
	s11 =	sadd.s32 s11, s14;
	s31 =	sor.u32 $0x400, s15  }
0x18: {  	[hbm4b:s11+s31] =	stream.strided.scatter [tilespmem:s12], [sflag:$0x2], $0x2000, s8, s31, $0x20;
	[tilespmem:$0x8080] =	vst v63  }
.LBB1_5:
0x19: {  	s13 =	sadd.s32 $0x1000, s9  }
0x1a: {  	p2 =	sgt.s32 s13, $0x63FFF  }
0x1b: {  	s13 =	smov.u32 @p2 s3;
	p2 =	sne.s32 s10, s7  }
.Ltmp1:
0x1c: {  	p1 =	slt.u32 s10, $0x2;
	(pc) =	sbr.rel @!p2 .LBB1_6-.Ltmp1, $4  }
0x1d: {  	s12 =	simm.s32 @!p1 $0x2  }
0x1e: {  	s14 =	sadd.s32 $0x1, s10;
	_ =	swait.ge @!p1 [sflag:s12], $0x2000  }
0x1f: {  	s11 =	smov.u32 s9;
	p0 =	por !p0, !p0;
	[sflag:s12] =	ssyncset.done @!p1 $0x0  }
0x20: {  	s10 =	smov.u32 s14;
	s9 =	smov.u32 s13;
	[sflag:s12] =	ssyncadd.s32 @!p1 $0xFFFFE000  }
.LBB1_1:
0x21: {  	p1 =	sge.u32 s10, s6  }
0x22: {  	s12 =	sand.u32 @!p1 $0x1FFFFFF, s9  }
0x23: {  	s13 =	smulhi.u32 @!p1 $0x147AE15, s12;
	_ =	sdelay $0x1  }
0x24: {  	s13 =	sshrl.u32 @!p1 s13, $0xB  }
0x25: {  	s13 =	smul.u32 @!p1 $0x64000, s13;
	_ =	sdelay $0x1  }
0x26: {  	s31 =	sadd.s32 $0xFFFFFFFF, s10;
	s14 =	sxor.u32 @!p1 $0xFFFFFFFF, s10;
	s12 =	ssub.s32 @!p1 s12, s13  }
0x27: {  	s15 =	simm.s32 @!p1 $0x80;
	s14 =	sshll.u32 @!p1 s14, $0xD;
	s12 =	sshll.u32 @!p1 s12, $0x4  }
0x28: {  	s13 =	sand.u32 @!p1 $0x2000, s14;
	s14 =	simm.s32 @!p1 $0x40;
	s12 =	sadd.s32 @!p1 s4, s12  }
0x29: {  	[tilespmem:s13], [sflag:$0x1] =	stream.strided.gather @!p1 [hbm4b:s12+s14], $0x2000, s15, s14, $0x38;
	[tilespmem:$0x8080] =	vst v63  }
0x2a: {  	p1 =	sge.u32 s31, s6  }
.Ltmp2:
0x2b: {  	_ = 	snop;
	(pc) =	sbr.rel @p1 .LBB1_5-.Ltmp2, $1  }
0x2c: {  	_ =	sdelay $0x3  }
0x2d: {  	s12 =	simm.s32 $0x1  }
0x2e: {  	_ =	swait.ge [sflag:s5], $0x2000;
	s12 =	simm.s32 @!p0 $0x0  }
0x2f: {  	[sflag:s5] =	ssyncset.done $0x0;
	s13 =	sshll.u32 s12, $0xD  }
0x30: {  	[sflag:s5] =	ssyncadd.s32 $0xFFFFE000;
	s16 =	sor.u32 $0x20, s13  }
0x31: {  	s12 =	smul.u32 $0x8100, s12;
	v3 =	vld [tilespmem:s16+$0x10]  }
0x32: {  	s30 =	sand.u32 $0x1, s10;
	v2 =	vld [tilespmem:s16+$0xFFFFFFF0]  }
0x33: {  	s13 =	smul.u32 $0x8100, s30;
	s12 =	sshrl.u32 s12, $0x2;
	v0 =	vld [tilespmem:s16+$0x0]  }
0x34: {  	v1 =	vld [tilespmem:s16+$0xFFFFFFE0];
	s14 =	sor.u32 $0x4000, s12  }
0x35: {  	s31 =	sshrl.u32 s13, $0x2;
	s13 =	sadd.s32 $0x0, s14  }
0x36: {  	s15 =	simm.s32 $0x4;
	s16 =	sadd.s32 $0x40, s16;
	s12 =	sor.u32 $0x4000, s31;
	[tilespmem:s13+$0x1830 ss:$0x81] =	vst.msk $0xffff, v3  }
.LBB1_3:
0x37: {  	v3 =	vld [tilespmem:s16+$0x10];
	p1 =	sne.s32 s15, $0x1FC;
	[tilespmem:s13+$0x810 ss:$0x81] =	vst.msk $0xffff, v2;
	s17 =	smov.u32 s15;
	s15 =	sadd.s32 $0x4, s15  }
.Ltmp3:
0x38: {  	v2 =	vld [tilespmem:s16+$0xFFFFFFF0];
	[tilespmem:s13+$0x1020 ss:$0x81] =	vst.msk $0xffff, v0;
	(pc) =	sbr.rel @p1 .LBB1_3-.Ltmp3, $4  }
0x39: {  	v0 =	vld [tilespmem:s16+$0x0];
	[tilespmem:s13+$0x0 ss:$0x81] =	vst.msk $0xffff, v1  }
0x3a: {  	s13 =	sshra.s32 s17, $0x2;
	v1 =	vld [tilespmem:s16+$0xFFFFFFE0]  }
0x3b: {  	s13 =	sadd.s32 s13, s14  }
0x3c: {  	s16 =	sadd.s32 $0x40, s16;
	[tilespmem:s13+$0x1830 ss:$0x81] =	vst.msk $0xffff, v3  }
.Ltmp4:
0x3d: {  	_ = 	snop;
	(pc) =	sbr.rel .LBB1_4-.Ltmp4, $1  }
0x3e: {  	_ =	sdelay $0x3  }
.LBB1_6:
0x3f: {  	_ =	sfence.sel $0x180000  }
0x40: {  	s2 =	simm.s32 $0x1;
	[bflag:$0x0] =	sbarrier.arrive $0xFFFF  }
0x41: {  	s31 =	simm.s32 $0x2;
	[sflag:s2] =	ssyncpa.u1 $0x1  }
0x42: {  	[sflag:s31] =	ssyncpa.u1 $0x1  }
0x43: {  	p0 =	sne.s32 s0, $0x0;
	_ =	strace $0x9000004A  }
0x44: {  	s0 =	sadd.s32 @!p0 $0x100000, s1;
	[bflag:$0x2] =	sbarrier.arrive $0xFFFF  }
0x45: {  	[sflag:s0] =	ssyncadd.tile.s32 @!p0 $0x1;
	_ =	shalt  }
.Lfunc_end1:
_tile_overlayer_lowered:
.L_overlay_start_2:
0x46: {  	(tag) =	ssettag $0x2  }
0x47: {  	s0 =	rddreg [dreg:$0x0];
	s2 =	stileid.u32  }
0x48: {  	s1 =	rddreg [dreg:$0x1];
	p0 =	sne.s32 s2, $0x0  }
0x49: {  	s3 =	rddreg [dreg:$0x2];
	[bflag:$0x3] =	sbarrier.arrive $0xFFFF;
	s2 =	simm.s32 @!p0 $0x1C01  }
0x4a: {  	[timem:s3], [sflag:s2] =	dma.local @!p0 [hbm:s0], s1  }
0x4b: {  	s0 =	simm.s32 @!p0 $0x1  }
0x4c: {  	_ =	swait.ge @!p0 [sflag:s0], s1  }
0x4d: {  	s1 =	ssub.s32 @!p0 $0x0, s1;
	[sflag:s0] =	ssyncset.done @!p0 $0x0  }
0x4e: {  	[sflag:s0] =	ssyncadd.s32 @!p0 s1  }
0x4f: {  	[bflag:$0x3] =	sbarrier.arrive $0xFFFF  }
0x50: {  	_ =	shalt  }

</sc_bundles>
